<compile_context>
chip_gen: v7x
topology: tpu7x:2x2x1
jax: 0.10.2.dev20260603
libtpu: 0.0.44.dev20260713+nightly
codegen_flags: <defaults>
</compile_context>

<pallas_src>
import functools

import jax
import jax.numpy as jnp
from jax import lax
from jax.experimental import pallas as pl
from jax.experimental.pallas import tpu as pltpu
from jax.experimental.pallas import tpu_sc as plsc

_N = 10000
_E = 320000
_D = 128
_BN_EPS = 1e-5

_CH = 128


def _sc_agg(table, src_r, dst_r, zeros, *, nc, ns, nch0, nch1, acc_rows):
    n, d = table.shape
    nch = max(nch0, nch1)
    assert nch0 % 8 == 0 or True
    rows_per_tile_z = acc_rows // ns
    rows_cp = (n // ns) // 8 * 8
    tail = n - rows_cp * ns
    mesh = plsc.VectorSubcoreMesh(core_axis_name="c", subcore_axis_name="s")

    @functools.partial(
        pl.kernel,
        out_type=jax.ShapeDtypeStruct((nc, n, d), jnp.float32),
        mesh=mesh,
        scratch_types=[
            pltpu.VMEM((nch, _CH), jnp.int32),
            pltpu.VMEM((nch, _CH), jnp.int32),
            pltpu.VMEM((_CH, d), jnp.float32),
            pltpu.VMEM_SHARED((acc_rows, d), jnp.float32),
            pltpu.SemaphoreType.DMA,
        ],
    )
    def body(table_hbm, src0_hbm, dst0_hbm, src1_hbm, dst1_hbm, z_hbm,
             out_hbm, idx_s, idx_d, rows, acc, sem):
        cid = lax.axis_index("c")
        sid = lax.axis_index("s")
        my_nch = jnp.where(cid == 0, nch0, nch1)

        pltpu.sync_copy(z_hbm, acc.at[pl.ds(sid * rows_per_tile_z,
                                            rows_per_tile_z)])

        @pl.when(cid == 0)
        def _():
            pltpu.sync_copy(src0_hbm.at[sid], idx_s.at[pl.ds(0, nch0)])
            pltpu.sync_copy(dst0_hbm.at[sid], idx_d.at[pl.ds(0, nch0)])

        @pl.when(cid != 0)
        def _():
            pltpu.sync_copy(src1_hbm.at[sid], idx_s.at[pl.ds(0, nch1)])
            pltpu.sync_copy(dst1_hbm.at[sid], idx_d.at[pl.ds(0, nch1)])
        plsc.subcore_barrier()

        def chunk(c, carry):
            pltpu.async_copy(table_hbm.at[idx_s.at[c]], rows, sem).wait()
            pltpu.sync_copy(rows, acc.at[idx_d.at[c]], add=True)
            return carry

        lax.fori_loop(0, my_nch, chunk, 0, unroll=False)
        plsc.subcore_barrier()

        pltpu.sync_copy(
            acc.at[pl.ds(sid * rows_cp, rows_cp)],
            out_hbm.at[cid].at[pl.ds(sid * rows_cp, rows_cp)],
        )
        if tail:
            @pl.when(sid == ns - 1)
            def _():
                pltpu.sync_copy(
                    acc.at[pl.ds(rows_cp * ns, tail)],
                    out_hbm.at[cid].at[pl.ds(rows_cp * ns, tail)],
                )

    return body(table, src_r[0], dst_r[0], src_r[1], dst_r[1], zeros)


def _mlp_block(x_ref, p_ref, wa_ref, ca_ref, wb_ref, cb_ref):
    a = x_ref[...] + p_ref[0] + p_ref[1]
    t = jnp.dot(a, wa_ref[...], preferred_element_type=jnp.float32)
    t = jnp.maximum(t + ca_ref[...], 0.0)
    u = jnp.dot(t, wb_ref[...], preferred_element_type=jnp.float32)
    return u + cb_ref[...]


def _mlp1_body(x_ref, p_ref, wa_ref, ca_ref, wb_ref, cb_ref, o_ref):
    u = _mlp_block(x_ref, p_ref, wa_ref, ca_ref, wb_ref, cb_ref)
    o_ref[...] = jnp.maximum(u, 0.0)


def _mlp2_body(x_ref, p_ref, wa_ref, ca_ref, wb_ref, cb_ref, o_ref):
    u = _mlp_block(x_ref, p_ref, wa_ref, ca_ref, wb_ref, cb_ref)
    m = jnp.max(u, axis=1, keepdims=True)
    z = u - m
    lse = jnp.log(jnp.sum(jnp.exp(z), axis=1, keepdims=True))
    o_ref[...] = z - lse


def _tc_mlp(body_fn, x, p, wa, ca, wb, cb, *, block_rows=1000):
    n, d = x.shape
    grid = (n // block_rows,)
    return pl.pallas_call(
        body_fn,
        grid=grid,
        in_specs=[
            pl.BlockSpec((block_rows, d), lambda i: (i, 0)),
            pl.BlockSpec((p.shape[0], block_rows, d), lambda i: (0, i, 0)),
            pl.BlockSpec((d, d), lambda i: (0, 0)),
            pl.BlockSpec((1, d), lambda i: (0, 0)),
            pl.BlockSpec((d, d), lambda i: (0, 0)),
            pl.BlockSpec((1, d), lambda i: (0, 0)),
        ],
        out_specs=pl.BlockSpec((block_rows, d), lambda i: (i, 0)),
        out_shape=jax.ShapeDtypeStruct((n, d), jnp.float32),
    )(x, p, wa, ca, wb, cb)


def kernel(x, edge_index, W1, b1, g1, bt1, W2, b2, bn_g0, bn_b0,
           W3, b3, g2, bt2, W4, b4):
    info = plsc.get_sparse_core_info()
    nc, ns = info.num_cores, info.num_subcores
    nw = nc * ns

    inv = 1.0 / jnp.sqrt(1.0 + _BN_EPS)
    s1 = g1 * inv
    w1f = W1.T * s1[None, :]
    c1 = (b1 * s1 + bt1)[None, :]
    s0 = bn_g0 * inv
    w2f = W2.T * s0[None, :]
    c2 = (b2 * s0 + bn_b0)[None, :]
    s2 = g2 * inv
    w3f = W3.T * s2[None, :]
    c3 = (b3 * s2 + bt2)[None, :]
    w4f = W4.T
    c4 = b4[None, :]

    zr = (-(-(_N + 1) // ns) + 7) // 8 * 8
    acc_rows = zr * ns
    zeros = jnp.zeros((zr, _D), jnp.float32)

    e = edge_index.shape[1]
    nchunks = -(-e // _CH)
    nch0 = (nchunks * 49) // (80 * ns)
    nch1 = -(-(nchunks - nch0 * ns) // ns)
    cap = ns * (nch0 + nch1) * _CH
    npad = cap - e
    src = edge_index[0]
    dst = edge_index[1]
    pad_dst = _N + (jnp.arange(npad, dtype=jnp.int32) % (acc_rows - _N))
    src_p = jnp.concatenate([src, jnp.zeros((npad,), jnp.int32)])
    dst_p = jnp.concatenate([dst, pad_dst])

    def layout(arr):
        cut = ns * nch0 * _CH
        return (arr[:cut].reshape(ns, nch0, _CH),
                arr[cut:].reshape(ns, nch1, _CH))

    src_r = layout(src_p)
    dst_r = layout(dst_p)

    agg = functools.partial(_sc_agg, src_r=src_r, dst_r=dst_r, zeros=zeros,
                            nc=nc, ns=ns, nch0=nch0, nch1=nch1,
                            acc_rows=acc_rows)

    p1 = agg(x)
    h = _tc_mlp(_mlp1_body, x, p1, w1f, c1, w2f, c2)
    p2 = agg(h)
    return _tc_mlp(_mlp2_body, h, p2, w3f, c3, w4f, c4)

# --- scband reference (transcript-rebuilt; emitter-appended) ---
"""Pipeline reference for scband-gin-84670985273390 (READ-ONLY COPY).

The authoritative reference and input builder live on the scoring server;
editing this copy changes nothing except your own understanding.
"""

import jax, jax.numpy as jnp
import numpy as np

N = 10000
E = 320000
D = 128
BN_EPS = 1e-5


def setup_inputs(seed: int = 0) -> dict:
    key = jax.random.key(seed)
    ks = jax.random.split(key, 16)
    x = jax.random.normal(ks[0], (N, D), dtype=jnp.float32)
    edge_index = jax.random.randint(ks[1], (2, E), 0, N, dtype=jnp.int32)
    s = 1.0 / np.sqrt(D)
    # GINConv 0 MLP params (Linear D->D, BN, Linear D->D)
    W1 = jax.random.normal(ks[2], (D, D), dtype=jnp.float32) * s
    b1 = jnp.zeros((D,), dtype=jnp.float32)
    g1 = jnp.ones((D,), dtype=jnp.float32)
    bt1 = jnp.zeros((D,), dtype=jnp.float32)
    W2 = jax.random.normal(ks[3], (D, D), dtype=jnp.float32) * s
    b2 = jnp.zeros((D,), dtype=jnp.float32)
    # outer BatchNorm after conv0
    bn_g0 = jnp.ones((D,), dtype=jnp.float32)
    bn_b0 = jnp.zeros((D,), dtype=jnp.float32)
    # GINConv 1 MLP params (Linear D->D, BN, Linear D->D)
    W3 = jax.random.normal(ks[4], (D, D), dtype=jnp.float32) * s
    b3 = jnp.zeros((D,), dtype=jnp.float32)
    g2 = jnp.ones((D,), dtype=jnp.float32)
    bt2 = jnp.zeros((D,), dtype=jnp.float32)
    W4 = jax.random.normal(ks[5], (D, D), dtype=jnp.float32) * s
    b4 = jnp.zeros((D,), dtype=jnp.float32)
    return {"x": x, "edge_index": edge_index, "W1": W1, "b1": b1, "g1": g1, "bt1": bt1,
            "W2": W2, "b2": b2, "bn_g0": bn_g0, "bn_b0": bn_b0,
            "W3": W3, "b3": b3, "g2": g2, "bt2": bt2, "W4": W4, "b4": b4}


def _bn_eval(h, gamma, beta):
    # eval-mode BatchNorm1d with running_mean=0, running_var=1
    return h / jnp.sqrt(1.0 + BN_EPS) * gamma + beta


def _mlp(h, W_a, b_a, g, bt, W_b, b_b):
    h = h @ W_a.T + b_a
    h = _bn_eval(h, g, bt)
    h = jax.nn.relu(h)
    return h @ W_b.T + b_b


def _gin_conv(x, src, dst, W_a, b_a, g, bt, W_b, b_b):
    # sum-aggregate neighbor features, eps=0: (1+eps)*x + sum_j x_j
    agg = jnp.zeros_like(x).at[dst].add(x[src])
    return _mlp(x + agg, W_a, b_a, g, bt, W_b, b_b)


def reference(x, edge_index, W1, b1, g1, bt1, W2, b2, bn_g0, bn_b0, W3, b3, g2, bt2, W4, b4):
    src = edge_index[0]
    dst = edge_index[1]
    h = _gin_conv(x, src, dst, W1, b1, g1, bt1, W2, b2)
    h = _bn_eval(h, bn_g0, bn_b0)
    h = jax.nn.relu(h)
    # dropout is identity in eval mode
    h = _gin_conv(h, src, dst, W3, b3, g2, bt2, W4, b4)
    return jax.nn.log_softmax(h, axis=1)

if __name__ == "__main__":
    import jax
    _d = setup_inputs()
    print(jax.jit(kernel)(*tuple(_d.values())))

</pallas_src>

<mosaic_0001>
#map = affine_map<(d0, d1) -> (0, 0)>
#map1 = affine_map<(d0, d1) -> (0, 0, 0)>
module attributes {stable_mosaic.version = 14 : i64} {
  func.func @body(%arg0: i32, %arg1: i32, %arg2: memref<10000x128xf32, #tpu.memory_space<hbm>>, %arg3: memref<16x95x128xi32, #tpu.memory_space<hbm>>, %arg4: memref<16x95x128xi32, #tpu.memory_space<hbm>>, %arg5: memref<16x62x128xi32, #tpu.memory_space<hbm>>, %arg6: memref<16x62x128xi32, #tpu.memory_space<hbm>>, %arg7: memref<632x128xf32, #tpu.memory_space<hbm>>, %arg8: memref<2x10000x128xf32, #tpu.memory_space<hbm>>, %arg9: memref<95x128xi32, #tpu.memory_space<vmem>>, %arg10: memref<95x128xi32, #tpu.memory_space<vmem>>, %arg11: memref<128x128xf32, #tpu.memory_space<vmem>>, %arg12: memref<10112x128xf32, #tpu.memory_space<vmem_shared>>, %arg13: memref<!tpu.dma_semaphore, #tpu.memory_space<semaphore_mem>>) attributes {dimension_semantics = [#tpu.dimension_semantics<core_parallel>, #tpu.dimension_semantics<subcore_parallel>], iteration_bounds = array<i64: 2, 16>, scalar_prefetch = 0 : i64, scratch_operands = 5 : i64, tpu.core_type = #tpu.core_type<sc_vector_subcore>, window_params = [{transform_indices = #map}, {transform_indices = #map1}, {transform_indices = #map1}, {transform_indices = #map1}, {transform_indices = #map1}, {transform_indices = #map}, {transform_indices = #map1}]} {
    %eq3A = arith.constant 0 : i32
    %eq3A_0 = arith.cmpi eq, %arg0, %eq3A : i32
    %jit3A = arith.constant 95 : i32
    %jit3A_1 = arith.constant 62 : i32
    %select_n3A = arith.select %eq3A_0, %jit3A, %jit3A_1 : i32
    %mul3A = arith.constant 632 : i32
    %mul3A_2 = arith.muli %arg1, %mul3A : i32
    "tpu.region"() ({
      %run_scoped3A = tpu.sem_alloc : memref<!tpu.dma_semaphore, #tpu.memory_space<semaphore_mem>>
      %dma_start3A = arith.constant 0 : i32
      %dma_start3A_29 = tpu.memref_slice %arg12[%mul3A_2, %dma_start3A] : memref<10112x128xf32, #tpu.memory_space<vmem_shared>> -> memref<632x128xf32, #tpu.memory_space<vmem_shared>>
      tpu.enqueue_dma source(%arg7 : memref<632x128xf32, #tpu.memory_space<hbm>>) target(%dma_start3A_29 : memref<632x128xf32, #tpu.memory_space<vmem_shared>>) target_semaphore(%run_scoped3A : memref<!tpu.dma_semaphore, #tpu.memory_space<semaphore_mem>>)
      %dma_wait3A = arith.constant 0 : i32
      %dma_wait3A_30 = tpu.memref_slice %arg12[%mul3A_2, %dma_wait3A] : memref<10112x128xf32, #tpu.memory_space<vmem_shared>> -> memref<632x128xf32, #tpu.memory_space<vmem_shared>>
      tpu.wait_dma2 semaphore(%run_scoped3A : memref<!tpu.dma_semaphore, #tpu.memory_space<semaphore_mem>>) src(%arg7 : memref<632x128xf32, #tpu.memory_space<hbm>>) dst(%dma_wait3A_30 : memref<632x128xf32, #tpu.memory_space<vmem_shared>>)
      tpu.yield
    }) : () -> ()
    %eq3A_3 = arith.constant 0 : i32
    %eq3A_4 = arith.cmpi eq, %arg0, %eq3A_3 : i32
    %convert_element_type3A = arith.extui %eq3A_4 : i1 to i32
    %cond3A = arith.constant 0 : i32
    %cond3A_5 = arith.cmpi ne, %convert_element_type3A, %cond3A : i32
    scf.if %cond3A_5 {
      "tpu.region"() ({
        %run_scoped3A = tpu.sem_alloc : memref<!tpu.dma_semaphore, #tpu.memory_space<semaphore_mem>>
        %dma_start3A = arith.constant 0 : i32
        %dma_start3A_29 = arith.constant 0 : i32
        %dma_start3A_30 = tpu.memref_slice %arg9[%dma_start3A, %dma_start3A_29] : memref<95x128xi32, #tpu.memory_space<vmem>> -> memref<95x128xi32, #tpu.memory_space<vmem>>
        %dma_start3A_31 = arith.constant 0 : i32
        %dma_start3A_32 = arith.constant 0 : i32
        %dma_start3A_33 = tpu.memref_slice %arg3[%arg1, %dma_start3A_31, %dma_start3A_32] : memref<16x95x128xi32, #tpu.memory_space<hbm>> -> memref<1x95x128xi32, #tpu.memory_space<hbm>>
        %dma_start3A_34 = tpu.memref_squeeze %dma_start3A_33 : memref<1x95x128xi32, #tpu.memory_space<hbm>> -> memref<95x128xi32, #tpu.memory_space<hbm>>
        %dma_start3A_35 = arith.constant 0 : i32
        %dma_start3A_36 = arith.constant 0 : i32
        %dma_start3A_37 = tpu.memref_slice %arg9[%dma_start3A_35, %dma_start3A_36] : memref<95x128xi32, #tpu.memory_space<vmem>> -> memref<95x128xi32, #tpu.memory_space<vmem>>
        %dma_start3A_38 = arith.constant 0 : i32
        %dma_start3A_39 = arith.constant 0 : i32
        %dma_start3A_40 = tpu.memref_slice %arg3[%arg1, %dma_start3A_38, %dma_start3A_39] : memref<16x95x128xi32, #tpu.memory_space<hbm>> -> memref<1x95x128xi32, #tpu.memory_space<hbm>>
        %dma_start3A_41 = tpu.memref_squeeze %dma_start3A_40 : memref<1x95x128xi32, #tpu.memory_space<hbm>> -> memref<95x128xi32, #tpu.memory_space<hbm>>
        tpu.enqueue_dma source(%dma_start3A_41 : memref<95x128xi32, #tpu.memory_space<hbm>>) target(%dma_start3A_37 : memref<95x128xi32, #tpu.memory_space<vmem>>) target_semaphore(%run_scoped3A : memref<!tpu.dma_semaphore, #tpu.memory_space<semaphore_mem>>)
        %dma_wait3A = arith.constant 0 : i32
        %dma_wait3A_42 = arith.constant 0 : i32
        %dma_wait3A_43 = tpu.memref_slice %arg9[%dma_wait3A, %dma_wait3A_42] : memref<95x128xi32, #tpu.memory_space<vmem>> -> memref<95x128xi32, #tpu.memory_space<vmem>>
        %dma_wait3A_44 = arith.constant 0 : i32
        %dma_wait3A_45 = arith.constant 0 : i32
        %dma_wait3A_46 = tpu.memref_slice %arg3[%arg1, %dma_wait3A_44, %dma_wait3A_45] : memref<16x95x128xi32, #tpu.memory_space<hbm>> -> memref<1x95x128xi32, #tpu.memory_space<hbm>>
        %dma_wait3A_47 = tpu.memref_squeeze %dma_wait3A_46 : memref<1x95x128xi32, #tpu.memory_space<hbm>> -> memref<95x128xi32, #tpu.memory_space<hbm>>
        %dma_wait3A_48 = arith.constant 0 : i32
        %dma_wait3A_49 = arith.constant 0 : i32
        %dma_wait3A_50 = tpu.memref_slice %arg9[%dma_wait3A_48, %dma_wait3A_49] : memref<95x128xi32, #tpu.memory_space<vmem>> -> memref<95x128xi32, #tpu.memory_space<vmem>>
        %dma_wait3A_51 = arith.constant 0 : i32
        %dma_wait3A_52 = arith.constant 0 : i32
        %dma_wait3A_53 = tpu.memref_slice %arg3[%arg1, %dma_wait3A_51, %dma_wait3A_52] : memref<16x95x128xi32, #tpu.memory_space<hbm>> -> memref<1x95x128xi32, #tpu.memory_space<hbm>>
        %dma_wait3A_54 = tpu.memref_squeeze %dma_wait3A_53 : memref<1x95x128xi32, #tpu.memory_space<hbm>> -> memref<95x128xi32, #tpu.memory_space<hbm>>
        tpu.wait_dma2 semaphore(%run_scoped3A : memref<!tpu.dma_semaphore, #tpu.memory_space<semaphore_mem>>) src(%dma_wait3A_54 : memref<95x128xi32, #tpu.memory_space<hbm>>) dst(%dma_wait3A_50 : memref<95x128xi32, #tpu.memory_space<vmem>>)
        tpu.yield
      }) : () -> ()
      "tpu.region"() ({
        %run_scoped3A = tpu.sem_alloc : memref<!tpu.dma_semaphore, #tpu.memory_space<semaphore_mem>>
        %dma_start3A = arith.constant 0 : i32
        %dma_start3A_29 = arith.constant 0 : i32
        %dma_start3A_30 = tpu.memref_slice %arg10[%dma_start3A, %dma_start3A_29] : memref<95x128xi32, #tpu.memory_space<vmem>> -> memref<95x128xi32, #tpu.memory_space<vmem>>
        %dma_start3A_31 = arith.constant 0 : i32
        %dma_start3A_32 = arith.constant 0 : i32
        %dma_start3A_33 = tpu.memref_slice %arg4[%arg1, %dma_start3A_31, %dma_start3A_32] : memref<16x95x128xi32, #tpu.memory_space<hbm>> -> memref<1x95x128xi32, #tpu.memory_space<hbm>>
        %dma_start3A_34 = tpu.memref_squeeze %dma_start3A_33 : memref<1x95x128xi32, #tpu.memory_space<hbm>> -> memref<95x128xi32, #tpu.memory_space<hbm>>
        %dma_start3A_35 = arith.constant 0 : i32
        %dma_start3A_36 = arith.constant 0 : i32
        %dma_start3A_37 = tpu.memref_slice %arg10[%dma_start3A_35, %dma_start3A_36] : memref<95x128xi32, #tpu.memory_space<vmem>> -> memref<95x128xi32, #tpu.memory_space<vmem>>
        %dma_start3A_38 = arith.constant 0 : i32
        %dma_start3A_39 = arith.constant 0 : i32
        %dma_start3A_40 = tpu.memref_slice %arg4[%arg1, %dma_start3A_38, %dma_start3A_39] : memref<16x95x128xi32, #tpu.memory_space<hbm>> -> memref<1x95x128xi32, #tpu.memory_space<hbm>>
        %dma_start3A_41 = tpu.memref_squeeze %dma_start3A_40 : memref<1x95x128xi32, #tpu.memory_space<hbm>> -> memref<95x128xi32, #tpu.memory_space<hbm>>
        tpu.enqueue_dma source(%dma_start3A_41 : memref<95x128xi32, #tpu.memory_space<hbm>>) target(%dma_start3A_37 : memref<95x128xi32, #tpu.memory_space<vmem>>) target_semaphore(%run_scoped3A : memref<!tpu.dma_semaphore, #tpu.memory_space<semaphore_mem>>)
        %dma_wait3A = arith.constant 0 : i32
        %dma_wait3A_42 = arith.constant 0 : i32
        %dma_wait3A_43 = tpu.memref_slice %arg10[%dma_wait3A, %dma_wait3A_42] : memref<95x128xi32, #tpu.memory_space<vmem>> -> memref<95x128xi32, #tpu.memory_space<vmem>>
        %dma_wait3A_44 = arith.constant 0 : i32
        %dma_wait3A_45 = arith.constant 0 : i32
        %dma_wait3A_46 = tpu.memref_slice %arg4[%arg1, %dma_wait3A_44, %dma_wait3A_45] : memref<16x95x128xi32, #tpu.memory_space<hbm>> -> memref<1x95x128xi32, #tpu.memory_space<hbm>>
        %dma_wait3A_47 = tpu.memref_squeeze %dma_wait3A_46 : memref<1x95x128xi32, #tpu.memory_space<hbm>> -> memref<95x128xi32, #tpu.memory_space<hbm>>
        %dma_wait3A_48 = arith.constant 0 : i32
        %dma_wait3A_49 = arith.constant 0 : i32
        %dma_wait3A_50 = tpu.memref_slice %arg10[%dma_wait3A_48, %dma_wait3A_49] : memref<95x128xi32, #tpu.memory_space<vmem>> -> memref<95x128xi32, #tpu.memory_space<vmem>>
        %dma_wait3A_51 = arith.constant 0 : i32
        %dma_wait3A_52 = arith.constant 0 : i32
        %dma_wait3A_53 = tpu.memref_slice %arg4[%arg1, %dma_wait3A_51, %dma_wait3A_52] : memref<16x95x128xi32, #tpu.memory_space<hbm>> -> memref<1x95x128xi32, #tpu.memory_space<hbm>>
        %dma_wait3A_54 = tpu.memref_squeeze %dma_wait3A_53 : memref<1x95x128xi32, #tpu.memory_space<hbm>> -> memref<95x128xi32, #tpu.memory_space<hbm>>
        tpu.wait_dma2 semaphore(%run_scoped3A : memref<!tpu.dma_semaphore, #tpu.memory_space<semaphore_mem>>) src(%dma_wait3A_54 : memref<95x128xi32, #tpu.memory_space<hbm>>) dst(%dma_wait3A_50 : memref<95x128xi32, #tpu.memory_space<vmem>>)
        tpu.yield
      }) : () -> ()
    } else {
    }
    %ne3A = arith.constant 0 : i32
    %ne3A_6 = arith.cmpi ne, %arg0, %ne3A : i32
    %convert_element_type3A_7 = arith.extui %ne3A_6 : i1 to i32
    %cond3A_8 = arith.constant 0 : i32
    %cond3A_9 = arith.cmpi ne, %convert_element_type3A_7, %cond3A_8 : i32
    scf.if %cond3A_9 {
      "tpu.region"() ({
        %run_scoped3A = tpu.sem_alloc : memref<!tpu.dma_semaphore, #tpu.memory_space<semaphore_mem>>
        %dma_start3A = arith.constant 0 : i32
        %dma_start3A_29 = arith.constant 0 : i32
        %dma_start3A_30 = tpu.memref_slice %arg9[%dma_start3A, %dma_start3A_29] : memref<95x128xi32, #tpu.memory_space<vmem>> -> memref<62x128xi32, #tpu.memory_space<vmem>>
        %dma_start3A_31 = arith.constant 0 : i32
        %dma_start3A_32 = arith.constant 0 : i32
        %dma_start3A_33 = tpu.memref_slice %arg5[%arg1, %dma_start3A_31, %dma_start3A_32] : memref<16x62x128xi32, #tpu.memory_space<hbm>> -> memref<1x62x128xi32, #tpu.memory_space<hbm>>
        %dma_start3A_34 = tpu.memref_squeeze %dma_start3A_33 : memref<1x62x128xi32, #tpu.memory_space<hbm>> -> memref<62x128xi32, #tpu.memory_space<hbm>>
        %dma_start3A_35 = arith.constant 0 : i32
        %dma_start3A_36 = arith.constant 0 : i32
        %dma_start3A_37 = tpu.memref_slice %arg9[%dma_start3A_35, %dma_start3A_36] : memref<95x128xi32, #tpu.memory_space<vmem>> -> memref<62x128xi32, #tpu.memory_space<vmem>>
        %dma_start3A_38 = arith.constant 0 : i32
        %dma_start3A_39 = arith.constant 0 : i32
        %dma_start3A_40 = tpu.memref_slice %arg5[%arg1, %dma_start3A_38, %dma_start3A_39] : memref<16x62x128xi32, #tpu.memory_space<hbm>> -> memref<1x62x128xi32, #tpu.memory_space<hbm>>
        %dma_start3A_41 = tpu.memref_squeeze %dma_start3A_40 : memref<1x62x128xi32, #tpu.memory_space<hbm>> -> memref<62x128xi32, #tpu.memory_space<hbm>>
        tpu.enqueue_dma source(%dma_start3A_41 : memref<62x128xi32, #tpu.memory_space<hbm>>) target(%dma_start3A_37 : memref<62x128xi32, #tpu.memory_space<vmem>>) target_semaphore(%run_scoped3A : memref<!tpu.dma_semaphore, #tpu.memory_space<semaphore_mem>>)
        %dma_wait3A = arith.constant 0 : i32
        %dma_wait3A_42 = arith.constant 0 : i32
        %dma_wait3A_43 = tpu.memref_slice %arg9[%dma_wait3A, %dma_wait3A_42] : memref<95x128xi32, #tpu.memory_space<vmem>> -> memref<62x128xi32, #tpu.memory_space<vmem>>
        %dma_wait3A_44 = arith.constant 0 : i32
        %dma_wait3A_45 = arith.constant 0 : i32
        %dma_wait3A_46 = tpu.memref_slice %arg5[%arg1, %dma_wait3A_44, %dma_wait3A_45] : memref<16x62x128xi32, #tpu.memory_space<hbm>> -> memref<1x62x128xi32, #tpu.memory_space<hbm>>
        %dma_wait3A_47 = tpu.memref_squeeze %dma_wait3A_46 : memref<1x62x128xi32, #tpu.memory_space<hbm>> -> memref<62x128xi32, #tpu.memory_space<hbm>>
        %dma_wait3A_48 = arith.constant 0 : i32
        %dma_wait3A_49 = arith.constant 0 : i32
        %dma_wait3A_50 = tpu.memref_slice %arg9[%dma_wait3A_48, %dma_wait3A_49] : memref<95x128xi32, #tpu.memory_space<vmem>> -> memref<62x128xi32, #tpu.memory_space<vmem>>
        %dma_wait3A_51 = arith.constant 0 : i32
        %dma_wait3A_52 = arith.constant 0 : i32
        %dma_wait3A_53 = tpu.memref_slice %arg5[%arg1, %dma_wait3A_51, %dma_wait3A_52] : memref<16x62x128xi32, #tpu.memory_space<hbm>> -> memref<1x62x128xi32, #tpu.memory_space<hbm>>
        %dma_wait3A_54 = tpu.memref_squeeze %dma_wait3A_53 : memref<1x62x128xi32, #tpu.memory_space<hbm>> -> memref<62x128xi32, #tpu.memory_space<hbm>>
        tpu.wait_dma2 semaphore(%run_scoped3A : memref<!tpu.dma_semaphore, #tpu.memory_space<semaphore_mem>>) src(%dma_wait3A_54 : memref<62x128xi32, #tpu.memory_space<hbm>>) dst(%dma_wait3A_50 : memref<62x128xi32, #tpu.memory_space<vmem>>)
        tpu.yield
      }) : () -> ()
      "tpu.region"() ({
        %run_scoped3A = tpu.sem_alloc : memref<!tpu.dma_semaphore, #tpu.memory_space<semaphore_mem>>
        %dma_start3A = arith.constant 0 : i32
        %dma_start3A_29 = arith.constant 0 : i32
        %dma_start3A_30 = tpu.memref_slice %arg10[%dma_start3A, %dma_start3A_29] : memref<95x128xi32, #tpu.memory_space<vmem>> -> memref<62x128xi32, #tpu.memory_space<vmem>>
        %dma_start3A_31 = arith.constant 0 : i32
        %dma_start3A_32 = arith.constant 0 : i32
        %dma_start3A_33 = tpu.memref_slice %arg6[%arg1, %dma_start3A_31, %dma_start3A_32] : memref<16x62x128xi32, #tpu.memory_space<hbm>> -> memref<1x62x128xi32, #tpu.memory_space<hbm>>
        %dma_start3A_34 = tpu.memref_squeeze %dma_start3A_33 : memref<1x62x128xi32, #tpu.memory_space<hbm>> -> memref<62x128xi32, #tpu.memory_space<hbm>>
        %dma_start3A_35 = arith.constant 0 : i32
        %dma_start3A_36 = arith.constant 0 : i32
        %dma_start3A_37 = tpu.memref_slice %arg10[%dma_start3A_35, %dma_start3A_36] : memref<95x128xi32, #tpu.memory_space<vmem>> -> memref<62x128xi32, #tpu.memory_space<vmem>>
        %dma_start3A_38 = arith.constant 0 : i32
        %dma_start3A_39 = arith.constant 0 : i32
        %dma_start3A_40 = tpu.memref_slice %arg6[%arg1, %dma_start3A_38, %dma_start3A_39] : memref<16x62x128xi32, #tpu.memory_space<hbm>> -> memref<1x62x128xi32, #tpu.memory_space<hbm>>
        %dma_start3A_41 = tpu.memref_squeeze %dma_start3A_40 : memref<1x62x128xi32, #tpu.memory_space<hbm>> -> memref<62x128xi32, #tpu.memory_space<hbm>>
        tpu.enqueue_dma source(%dma_start3A_41 : memref<62x128xi32, #tpu.memory_space<hbm>>) target(%dma_start3A_37 : memref<62x128xi32, #tpu.memory_space<vmem>>) target_semaphore(%run_scoped3A : memref<!tpu.dma_semaphore, #tpu.memory_space<semaphore_mem>>)
        %dma_wait3A = arith.constant 0 : i32
        %dma_wait3A_42 = arith.constant 0 : i32
        %dma_wait3A_43 = tpu.memref_slice %arg10[%dma_wait3A, %dma_wait3A_42] : memref<95x128xi32, #tpu.memory_space<vmem>> -> memref<62x128xi32, #tpu.memory_space<vmem>>
        %dma_wait3A_44 = arith.constant 0 : i32
        %dma_wait3A_45 = arith.constant 0 : i32
        %dma_wait3A_46 = tpu.memref_slice %arg6[%arg1, %dma_wait3A_44, %dma_wait3A_45] : memref<16x62x128xi32, #tpu.memory_space<hbm>> -> memref<1x62x128xi32, #tpu.memory_space<hbm>>
        %dma_wait3A_47 = tpu.memref_squeeze %dma_wait3A_46 : memref<1x62x128xi32, #tpu.memory_space<hbm>> -> memref<62x128xi32, #tpu.memory_space<hbm>>
        %dma_wait3A_48 = arith.constant 0 : i32
        %dma_wait3A_49 = arith.constant 0 : i32
        %dma_wait3A_50 = tpu.memref_slice %arg10[%dma_wait3A_48, %dma_wait3A_49] : memref<95x128xi32, #tpu.memory_space<vmem>> -> memref<62x128xi32, #tpu.memory_space<vmem>>
        %dma_wait3A_51 = arith.constant 0 : i32
        %dma_wait3A_52 = arith.constant 0 : i32
        %dma_wait3A_53 = tpu.memref_slice %arg6[%arg1, %dma_wait3A_51, %dma_wait3A_52] : memref<16x62x128xi32, #tpu.memory_space<hbm>> -> memref<1x62x128xi32, #tpu.memory_space<hbm>>
        %dma_wait3A_54 = tpu.memref_squeeze %dma_wait3A_53 : memref<1x62x128xi32, #tpu.memory_space<hbm>> -> memref<62x128xi32, #tpu.memory_space<hbm>>
        tpu.wait_dma2 semaphore(%run_scoped3A : memref<!tpu.dma_semaphore, #tpu.memory_space<semaphore_mem>>) src(%dma_wait3A_54 : memref<62x128xi32, #tpu.memory_space<hbm>>) dst(%dma_wait3A_50 : memref<62x128xi32, #tpu.memory_space<vmem>>)
        tpu.yield
      }) : () -> ()
    } else {
    }
    %barrier3A = arith.constant 0 : index
    tpu.barrier barrier_id(%barrier3A)
    %while3A = arith.constant 0 : i32
    %while3A_10 = arith.constant 0 : i32
    %while3A_11 = arith.subi %select_n3A, %while3A_10 : i32
    %while3A_12 = arith.addi %while3A_10, %while3A_11 : i32
    %while3A_13 = arith.constant 1 : i32
    %while3A_14 = arith.divsi %while3A_11, %while3A_13 : i32
    %while3A_15 = arith.muli %while3A_14, %while3A_13 : i32
    %while3A_16 = arith.addi %while3A_10, %while3A_15 : i32
    %while3A_17 = arith.constant 1 : i32
    scf.for %while3A_29 = %while3A_10 to %while3A_16 step %while3A_17  : i32 {
      %dma_start3A = arith.constant 0 : i32
      %dma_start3A_30 = tpu.memref_slice %arg9[%while3A_29, %dma_start3A] : memref<95x128xi32, #tpu.memory_space<vmem>> -> memref<1x128xi32, #tpu.memory_space<vmem>>
      %dma_start3A_31 = tpu.memref_squeeze %dma_start3A_30 : memref<1x128xi32, #tpu.memory_space<vmem>> -> memref<128xi32, #tpu.memory_space<vmem>>
      %dma_start3A_32 = arith.constant 0 : i32
      %dma_start3A_33 = arith.constant 0 : i32
      %dma_start3A_34 = tpu.memref_slice %arg2[%dma_start3A_32, %dma_start3A_33] : memref<10000x128xf32, #tpu.memory_space<hbm>> -> memref<10000x128xf32, #tpu.memory_space<hbm>>
      tpu.enqueue_indirect_dma source(%dma_start3A_34 : memref<10000x128xf32, #tpu.memory_space<hbm>>) target(%arg11 : memref<128x128xf32, #tpu.memory_space<vmem>>) offsets(%dma_start3A_31 : memref<128xi32, #tpu.memory_space<vmem>>) semaphore(%arg13 : memref<!tpu.dma_semaphore, #tpu.memory_space<semaphore_mem>>)
      %dma_wait3A = arith.constant 0 : i32
      %dma_wait3A_35 = tpu.memref_slice %arg9[%while3A_29, %dma_wait3A] : memref<95x128xi32, #tpu.memory_space<vmem>> -> memref<1x128xi32, #tpu.memory_space<vmem>>
      %dma_wait3A_36 = tpu.memref_squeeze %dma_wait3A_35 : memref<1x128xi32, #tpu.memory_space<vmem>> -> memref<128xi32, #tpu.memory_space<vmem>>
      %dma_wait3A_37 = arith.constant 0 : i32
      %dma_wait3A_38 = arith.constant 0 : i32
      %dma_wait3A_39 = tpu.memref_slice %arg2[%dma_wait3A_37, %dma_wait3A_38] : memref<10000x128xf32, #tpu.memory_space<hbm>> -> memref<10000x128xf32, #tpu.memory_space<hbm>>
      tpu.wait_indirect_dma semaphore(%arg13 : memref<!tpu.dma_semaphore, #tpu.memory_space<semaphore_mem>>) src(%dma_wait3A_39 : memref<10000x128xf32, #tpu.memory_space<hbm>>) dst(%arg11 : memref<128x128xf32, #tpu.memory_space<vmem>>)
      "tpu.region"() ({
        %run_scoped3A = tpu.sem_alloc : memref<!tpu.dma_semaphore, #tpu.memory_space<semaphore_mem>>
        %dma_start3A_40 = arith.constant 0 : i32
        %dma_start3A_41 = tpu.memref_slice %arg10[%while3A_29, %dma_start3A_40] : memref<95x128xi32, #tpu.memory_space<vmem>> -> memref<1x128xi32, #tpu.memory_space<vmem>>
        %dma_start3A_42 = tpu.memref_squeeze %dma_start3A_41 : memref<1x128xi32, #tpu.memory_space<vmem>> -> memref<128xi32, #tpu.memory_space<vmem>>
        %dma_start3A_43 = arith.constant 0 : i32
        %dma_start3A_44 = arith.constant 0 : i32
        %dma_start3A_45 = tpu.memref_slice %arg12[%dma_start3A_43, %dma_start3A_44] : memref<10112x128xf32, #tpu.memory_space<vmem_shared>> -> memref<10112x128xf32, #tpu.memory_space<vmem_shared>>
        tpu.enqueue_indirect_dma source(%arg11 : memref<128x128xf32, #tpu.memory_space<vmem>>) target(%dma_start3A_45 : memref<10112x128xf32, #tpu.memory_space<vmem_shared>>) offsets(%dma_start3A_42 : memref<128xi32, #tpu.memory_space<vmem>>) semaphore(%run_scoped3A : memref<!tpu.dma_semaphore, #tpu.memory_space<semaphore_mem>>) {add = true}
        %dma_wait3A_46 = arith.constant 0 : i32
        %dma_wait3A_47 = tpu.memref_slice %arg10[%while3A_29, %dma_wait3A_46] : memref<95x128xi32, #tpu.memory_space<vmem>> -> memref<1x128xi32, #tpu.memory_space<vmem>>
        %dma_wait3A_48 = tpu.memref_squeeze %dma_wait3A_47 : memref<1x128xi32, #tpu.memory_space<vmem>> -> memref<128xi32, #tpu.memory_space<vmem>>
        %dma_wait3A_49 = arith.constant 0 : i32
        %dma_wait3A_50 = arith.constant 0 : i32
        %dma_wait3A_51 = tpu.memref_slice %arg12[%dma_wait3A_49, %dma_wait3A_50] : memref<10112x128xf32, #tpu.memory_space<vmem_shared>> -> memref<10112x128xf32, #tpu.memory_space<vmem_shared>>
        tpu.wait_indirect_dma semaphore(%run_scoped3A : memref<!tpu.dma_semaphore, #tpu.memory_space<semaphore_mem>>) src(%arg11 : memref<128x128xf32, #tpu.memory_space<vmem>>) dst(%dma_wait3A_51 : memref<10112x128xf32, #tpu.memory_space<vmem_shared>>)
        tpu.yield
      }) : () -> ()
    }
    %while3A_18 = arith.constant 1 : i32
    scf.for %while3A_29 = %while3A_16 to %while3A_12 step %while3A_18  : i32 {
      %dma_start3A = arith.constant 0 : i32
      %dma_start3A_30 = tpu.memref_slice %arg9[%while3A_29, %dma_start3A] : memref<95x128xi32, #tpu.memory_space<vmem>> -> memref<1x128xi32, #tpu.memory_space<vmem>>
      %dma_start3A_31 = tpu.memref_squeeze %dma_start3A_30 : memref<1x128xi32, #tpu.memory_space<vmem>> -> memref<128xi32, #tpu.memory_space<vmem>>
      %dma_start3A_32 = arith.constant 0 : i32
      %dma_start3A_33 = arith.constant 0 : i32
      %dma_start3A_34 = tpu.memref_slice %arg2[%dma_start3A_32, %dma_start3A_33] : memref<10000x128xf32, #tpu.memory_space<hbm>> -> memref<10000x128xf32, #tpu.memory_space<hbm>>
      tpu.enqueue_indirect_dma source(%dma_start3A_34 : memref<10000x128xf32, #tpu.memory_space<hbm>>) target(%arg11 : memref<128x128xf32, #tpu.memory_space<vmem>>) offsets(%dma_start3A_31 : memref<128xi32, #tpu.memory_space<vmem>>) semaphore(%arg13 : memref<!tpu.dma_semaphore, #tpu.memory_space<semaphore_mem>>)
      %dma_wait3A = arith.constant 0 : i32
      %dma_wait3A_35 = tpu.memref_slice %arg9[%while3A_29, %dma_wait3A] : memref<95x128xi32, #tpu.memory_space<vmem>> -> memref<1x128xi32, #tpu.memory_space<vmem>>
      %dma_wait3A_36 = tpu.memref_squeeze %dma_wait3A_35 : memref<1x128xi32, #tpu.memory_space<vmem>> -> memref<128xi32, #tpu.memory_space<vmem>>
      %dma_wait3A_37 = arith.constant 0 : i32
      %dma_wait3A_38 = arith.constant 0 : i32
      %dma_wait3A_39 = tpu.memref_slice %arg2[%dma_wait3A_37, %dma_wait3A_38] : memref<10000x128xf32, #tpu.memory_space<hbm>> -> memref<10000x128xf32, #tpu.memory_space<hbm>>
      tpu.wait_indirect_dma semaphore(%arg13 : memref<!tpu.dma_semaphore, #tpu.memory_space<semaphore_mem>>) src(%dma_wait3A_39 : memref<10000x128xf32, #tpu.memory_space<hbm>>) dst(%arg11 : memref<128x128xf32, #tpu.memory_space<vmem>>)
      "tpu.region"() ({
        %run_scoped3A = tpu.sem_alloc : memref<!tpu.dma_semaphore, #tpu.memory_space<semaphore_mem>>
        %dma_start3A_40 = arith.constant 0 : i32
        %dma_start3A_41 = tpu.memref_slice %arg10[%while3A_29, %dma_start3A_40] : memref<95x128xi32, #tpu.memory_space<vmem>> -> memref<1x128xi32, #tpu.memory_space<vmem>>
        %dma_start3A_42 = tpu.memref_squeeze %dma_start3A_41 : memref<1x128xi32, #tpu.memory_space<vmem>> -> memref<128xi32, #tpu.memory_space<vmem>>
        %dma_start3A_43 = arith.constant 0 : i32
        %dma_start3A_44 = arith.constant 0 : i32
        %dma_start3A_45 = tpu.memref_slice %arg12[%dma_start3A_43, %dma_start3A_44] : memref<10112x128xf32, #tpu.memory_space<vmem_shared>> -> memref<10112x128xf32, #tpu.memory_space<vmem_shared>>
        tpu.enqueue_indirect_dma source(%arg11 : memref<128x128xf32, #tpu.memory_space<vmem>>) target(%dma_start3A_45 : memref<10112x128xf32, #tpu.memory_space<vmem_shared>>) offsets(%dma_start3A_42 : memref<128xi32, #tpu.memory_space<vmem>>) semaphore(%run_scoped3A : memref<!tpu.dma_semaphore, #tpu.memory_space<semaphore_mem>>) {add = true}
        %dma_wait3A_46 = arith.constant 0 : i32
        %dma_wait3A_47 = tpu.memref_slice %arg10[%while3A_29, %dma_wait3A_46] : memref<95x128xi32, #tpu.memory_space<vmem>> -> memref<1x128xi32, #tpu.memory_space<vmem>>
        %dma_wait3A_48 = tpu.memref_squeeze %dma_wait3A_47 : memref<1x128xi32, #tpu.memory_space<vmem>> -> memref<128xi32, #tpu.memory_space<vmem>>
        %dma_wait3A_49 = arith.constant 0 : i32
        %dma_wait3A_50 = arith.constant 0 : i32
        %dma_wait3A_51 = tpu.memref_slice %arg12[%dma_wait3A_49, %dma_wait3A_50] : memref<10112x128xf32, #tpu.memory_space<vmem_shared>> -> memref<10112x128xf32, #tpu.memory_space<vmem_shared>>
        tpu.wait_indirect_dma semaphore(%run_scoped3A : memref<!tpu.dma_semaphore, #tpu.memory_space<semaphore_mem>>) src(%arg11 : memref<128x128xf32, #tpu.memory_space<vmem>>) dst(%dma_wait3A_51 : memref<10112x128xf32, #tpu.memory_space<vmem_shared>>)
        tpu.yield
      }) : () -> ()
    }
    %barrier3A_19 = arith.constant 0 : index
    tpu.barrier barrier_id(%barrier3A_19)
    %mul3A_20 = arith.constant 624 : i32
    %mul3A_21 = arith.muli %arg1, %mul3A_20 : i32
    %mul3A_22 = arith.constant 624 : i32
    %mul3A_23 = arith.muli %arg1, %mul3A_22 : i32
    "tpu.region"() ({
      %run_scoped3A = tpu.sem_alloc : memref<!tpu.dma_semaphore, #tpu.memory_space<semaphore_mem>>
      %dma_start3A = arith.constant 0 : i32
      %dma_start3A_29 = arith.constant 0 : i32
      %dma_start3A_30 = tpu.memref_slice %arg8[%arg0, %dma_start3A, %dma_start3A_29] : memref<2x10000x128xf32, #tpu.memory_space<hbm>> -> memref<1x10000x128xf32, #tpu.memory_space<hbm>>
      %dma_start3A_31 = tpu.memref_squeeze %dma_start3A_30 : memref<1x10000x128xf32, #tpu.memory_space<hbm>> -> memref<10000x128xf32, #tpu.memory_space<hbm>>
      %dma_start3A_32 = arith.constant 0 : i32
      %dma_start3A_33 = tpu.memref_slice %dma_start3A_31[%mul3A_23, %dma_start3A_32] : memref<10000x128xf32, #tpu.memory_space<hbm>> -> memref<624x128xf32, #tpu.memory_space<hbm>>
      %dma_start3A_34 = arith.constant 0 : i32
      %dma_start3A_35 = tpu.memref_slice %arg12[%mul3A_21, %dma_start3A_34] : memref<10112x128xf32, #tpu.memory_space<vmem_shared>> -> memref<624x128xf32, #tpu.memory_space<vmem_shared>>
      tpu.enqueue_dma source(%dma_start3A_35 : memref<624x128xf32, #tpu.memory_space<vmem_shared>>) target(%dma_start3A_33 : memref<624x128xf32, #tpu.memory_space<hbm>>) target_semaphore(%run_scoped3A : memref<!tpu.dma_semaphore, #tpu.memory_space<semaphore_mem>>)
      %dma_wait3A = arith.constant 0 : i32
      %dma_wait3A_36 = arith.constant 0 : i32
      %dma_wait3A_37 = tpu.memref_slice %arg8[%arg0, %dma_wait3A, %dma_wait3A_36] : memref<2x10000x128xf32, #tpu.memory_space<hbm>> -> memref<1x10000x128xf32, #tpu.memory_space<hbm>>
      %dma_wait3A_38 = tpu.memref_squeeze %dma_wait3A_37 : memref<1x10000x128xf32, #tpu.memory_space<hbm>> -> memref<10000x128xf32, #tpu.memory_space<hbm>>
      %dma_wait3A_39 = arith.constant 0 : i32
      %dma_wait3A_40 = tpu.memref_slice %dma_wait3A_38[%mul3A_23, %dma_wait3A_39] : memref<10000x128xf32, #tpu.memory_space<hbm>> -> memref<624x128xf32, #tpu.memory_space<hbm>>
      %dma_wait3A_41 = arith.constant 0 : i32
      %dma_wait3A_42 = tpu.memref_slice %arg12[%mul3A_21, %dma_wait3A_41] : memref<10112x128xf32, #tpu.memory_space<vmem_shared>> -> memref<624x128xf32, #tpu.memory_space<vmem_shared>>
      tpu.wait_dma2 semaphore(%run_scoped3A : memref<!tpu.dma_semaphore, #tpu.memory_space<semaphore_mem>>) src(%dma_wait3A_42 : memref<624x128xf32, #tpu.memory_space<vmem_shared>>) dst(%dma_wait3A_40 : memref<624x128xf32, #tpu.memory_space<hbm>>)
      tpu.yield
    }) : () -> ()
    %eq3A_24 = arith.constant 15 : i32
    %eq3A_25 = arith.cmpi eq, %arg1, %eq3A_24 : i32
    %convert_element_type3A_26 = arith.extui %eq3A_25 : i1 to i32
    %cond3A_27 = arith.constant 0 : i32
    %cond3A_28 = arith.cmpi ne, %convert_element_type3A_26, %cond3A_27 : i32
    scf.if %cond3A_28 {
      "tpu.region"() ({
        %run_scoped3A = tpu.sem_alloc : memref<!tpu.dma_semaphore, #tpu.memory_space<semaphore_mem>>
        %dma_start3A = arith.constant 0 : i32
        %dma_start3A_29 = arith.constant 0 : i32
        %dma_start3A_30 = tpu.memref_slice %arg8[%arg0, %dma_start3A, %dma_start3A_29] : memref<2x10000x128xf32, #tpu.memory_space<hbm>> -> memref<1x10000x128xf32, #tpu.memory_space<hbm>>
        %dma_start3A_31 = tpu.memref_squeeze %dma_start3A_30 : memref<1x10000x128xf32, #tpu.memory_space<hbm>> -> memref<10000x128xf32, #tpu.memory_space<hbm>>
        %dma_start3A_32 = arith.constant 9984 : i32
        %dma_start3A_33 = arith.constant 0 : i32
        %dma_start3A_34 = tpu.memref_slice %dma_start3A_31[%dma_start3A_32, %dma_start3A_33] : memref<10000x128xf32, #tpu.memory_space<hbm>> -> memref<16x128xf32, #tpu.memory_space<hbm>>
        %dma_start3A_35 = arith.constant 9984 : i32
        %dma_start3A_36 = arith.constant 0 : i32
        %dma_start3A_37 = tpu.memref_slice %arg12[%dma_start3A_35, %dma_start3A_36] : memref<10112x128xf32, #tpu.memory_space<vmem_shared>> -> memref<16x128xf32, #tpu.memory_space<vmem_shared>>
        tpu.enqueue_dma source(%dma_start3A_37 : memref<16x128xf32, #tpu.memory_space<vmem_shared>>) target(%dma_start3A_34 : memref<16x128xf32, #tpu.memory_space<hbm>>) target_semaphore(%run_scoped3A : memref<!tpu.dma_semaphore, #tpu.memory_space<semaphore_mem>>)
        %dma_wait3A = arith.constant 0 : i32
        %dma_wait3A_38 = arith.constant 0 : i32
        %dma_wait3A_39 = tpu.memref_slice %arg8[%arg0, %dma_wait3A, %dma_wait3A_38] : memref<2x10000x128xf32, #tpu.memory_space<hbm>> -> memref<1x10000x128xf32, #tpu.memory_space<hbm>>
        %dma_wait3A_40 = tpu.memref_squeeze %dma_wait3A_39 : memref<1x10000x128xf32, #tpu.memory_space<hbm>> -> memref<10000x128xf32, #tpu.memory_space<hbm>>
        %dma_wait3A_41 = arith.constant 9984 : i32
        %dma_wait3A_42 = arith.constant 0 : i32
        %dma_wait3A_43 = tpu.memref_slice %dma_wait3A_40[%dma_wait3A_41, %dma_wait3A_42] : memref<10000x128xf32, #tpu.memory_space<hbm>> -> memref<16x128xf32, #tpu.memory_space<hbm>>
        %dma_wait3A_44 = arith.constant 9984 : i32
        %dma_wait3A_45 = arith.constant 0 : i32
        %dma_wait3A_46 = tpu.memref_slice %arg12[%dma_wait3A_44, %dma_wait3A_45] : memref<10112x128xf32, #tpu.memory_space<vmem_shared>> -> memref<16x128xf32, #tpu.memory_space<vmem_shared>>
        tpu.wait_dma2 semaphore(%run_scoped3A : memref<!tpu.dma_semaphore, #tpu.memory_space<semaphore_mem>>) src(%dma_wait3A_46 : memref<16x128xf32, #tpu.memory_space<vmem_shared>>) dst(%dma_wait3A_43 : memref<16x128xf32, #tpu.memory_space<hbm>>)
        tpu.yield
      }) : () -> ()
    } else {
    }
    return
  }
}

#map = affine_map<(d0, d1) -> (0, 0)>
#map1 = affine_map<(d0, d1) -> (0, 0, 0)>
module attributes {stable_mosaic.version = 14 : i64} {
  func.func @body(%arg0: i32, %arg1: i32, %arg2: memref<10000x128xf32, #tpu.memory_space<hbm>>, %arg3: memref<16x95x128xi32, #tpu.memory_space<hbm>>, %arg4: memref<16x95x128xi32, #tpu.memory_space<hbm>>, %arg5: memref<16x62x128xi32, #tpu.memory_space<hbm>>, %arg6: memref<16x62x128xi32, #tpu.memory_space<hbm>>, %arg7: memref<632x128xf32, #tpu.memory_space<hbm>>, %arg8: memref<2x10000x128xf32, #tpu.memory_space<hbm>>, %arg9: memref<95x128xi32, #tpu.memory_space<vmem>>, %arg10: memref<95x128xi32, #tpu.memory_space<vmem>>, %arg11: memref<128x128xf32, #tpu.memory_space<vmem>>, %arg12: memref<10112x128xf32, #tpu.memory_space<vmem_shared>>, %arg13: memref<!tpu.dma_semaphore, #tpu.memory_space<semaphore_mem>>) attributes {dimension_semantics = [#tpu.dimension_semantics<core_parallel>, #tpu.dimension_semantics<subcore_parallel>], iteration_bounds = array<i64: 2, 16>, scalar_prefetch = 0 : i64, scratch_operands = 5 : i64, tpu.core_type = #tpu.core_type<sc_vector_subcore>, window_params = [{transform_indices = #map}, {transform_indices = #map1}, {transform_indices = #map1}, {transform_indices = #map1}, {transform_indices = #map1}, {transform_indices = #map}, {transform_indices = #map1}]} {
    %eq3A = arith.constant 0 : i32
    %eq3A_0 = arith.cmpi eq, %arg0, %eq3A : i32
    %jit3A = arith.constant 95 : i32
    %jit3A_1 = arith.constant 62 : i32
    %select_n3A = arith.select %eq3A_0, %jit3A, %jit3A_1 : i32
    %mul3A = arith.constant 632 : i32
    %mul3A_2 = arith.muli %arg1, %mul3A : i32
    "tpu.region"() ({
      %run_scoped3A = tpu.sem_alloc : memref<!tpu.dma_semaphore, #tpu.memory_space<semaphore_mem>>
      %dma_start3A = arith.constant 0 : i32
      %dma_start3A_29 = tpu.memref_slice %arg12[%mul3A_2, %dma_start3A] : memref<10112x128xf32, #tpu.memory_space<vmem_shared>> -> memref<632x128xf32, #tpu.memory_space<vmem_shared>>
      tpu.enqueue_dma source(%arg7 : memref<632x128xf32, #tpu.memory_space<hbm>>) target(%dma_start3A_29 : memref<632x128xf32, #tpu.memory_space<vmem_shared>>) target_semaphore(%run_scoped3A : memref<!tpu.dma_semaphore, #tpu.memory_space<semaphore_mem>>)
      %dma_wait3A = arith.constant 0 : i32
      %dma_wait3A_30 = tpu.memref_slice %arg12[%mul3A_2, %dma_wait3A] : memref<10112x128xf32, #tpu.memory_space<vmem_shared>> -> memref<632x128xf32, #tpu.memory_space<vmem_shared>>
      tpu.wait_dma2 semaphore(%run_scoped3A : memref<!tpu.dma_semaphore, #tpu.memory_space<semaphore_mem>>) src(%arg7 : memref<632x128xf32, #tpu.memory_space<hbm>>) dst(%dma_wait3A_30 : memref<632x128xf32, #tpu.memory_space<vmem_shared>>)
      tpu.yield
    }) : () -> ()
    %eq3A_3 = arith.constant 0 : i32
    %eq3A_4 = arith.cmpi eq, %arg0, %eq3A_3 : i32
    %convert_element_type3A = arith.extui %eq3A_4 : i1 to i32
    %cond3A = arith.constant 0 : i32
    %cond3A_5 = arith.cmpi ne, %convert_element_type3A, %cond3A : i32
    scf.if %cond3A_5 {
      "tpu.region"() ({
        %run_scoped3A = tpu.sem_alloc : memref<!tpu.dma_semaphore, #tpu.memory_space<semaphore_mem>>
        %dma_start3A = arith.constant 0 : i32
        %dma_start3A_29 = arith.constant 0 : i32
        %dma_start3A_30 = tpu.memref_slice %arg9[%dma_start3A, %dma_start3A_29] : memref<95x128xi32, #tpu.memory_space<vmem>> -> memref<95x128xi32, #tpu.memory_space<vmem>>
        %dma_start3A_31 = arith.constant 0 : i32
        %dma_start3A_32 = arith.constant 0 : i32
        %dma_start3A_33 = tpu.memref_slice %arg3[%arg1, %dma_start3A_31, %dma_start3A_32] : memref<16x95x128xi32, #tpu.memory_space<hbm>> -> memref<1x95x128xi32, #tpu.memory_space<hbm>>
        %dma_start3A_34 = tpu.memref_squeeze %dma_start3A_33 : memref<1x95x128xi32, #tpu.memory_space<hbm>> -> memref<95x128xi32, #tpu.memory_space<hbm>>
        %dma_start3A_35 = arith.constant 0 : i32
        %dma_start3A_36 = arith.constant 0 : i32
        %dma_start3A_37 = tpu.memref_slice %arg9[%dma_start3A_35, %dma_start3A_36] : memref<95x128xi32, #tpu.memory_space<vmem>> -> memref<95x128xi32, #tpu.memory_space<vmem>>
        %dma_start3A_38 = arith.constant 0 : i32
        %dma_start3A_39 = arith.constant 0 : i32
        %dma_start3A_40 = tpu.memref_slice %arg3[%arg1, %dma_start3A_38, %dma_start3A_39] : memref<16x95x128xi32, #tpu.memory_space<hbm>> -> memref<1x95x128xi32, #tpu.memory_space<hbm>>
        %dma_start3A_41 = tpu.memref_squeeze %dma_start3A_40 : memref<1x95x128xi32, #tpu.memory_space<hbm>> -> memref<95x128xi32, #tpu.memory_space<hbm>>
        tpu.enqueue_dma source(%dma_start3A_41 : memref<95x128xi32, #tpu.memory_space<hbm>>) target(%dma_start3A_37 : memref<95x128xi32, #tpu.memory_space<vmem>>) target_semaphore(%run_scoped3A : memref<!tpu.dma_semaphore, #tpu.memory_space<semaphore_mem>>)
        %dma_wait3A = arith.constant 0 : i32
        %dma_wait3A_42 = arith.constant 0 : i32
        %dma_wait3A_43 = tpu.memref_slice %arg9[%dma_wait3A, %dma_wait3A_42] : memref<95x128xi32, #tpu.memory_space<vmem>> -> memref<95x128xi32, #tpu.memory_space<vmem>>
        %dma_wait3A_44 = arith.constant 0 : i32
        %dma_wait3A_45 = arith.constant 0 : i32
        %dma_wait3A_46 = tpu.memref_slice %arg3[%arg1, %dma_wait3A_44, %dma_wait3A_45] : memref<16x95x128xi32, #tpu.memory_space<hbm>> -> memref<1x95x128xi32, #tpu.memory_space<hbm>>
        %dma_wait3A_47 = tpu.memref_squeeze %dma_wait3A_46 : memref<1x95x128xi32, #tpu.memory_space<hbm>> -> memref<95x128xi32, #tpu.memory_space<hbm>>
        %dma_wait3A_48 = arith.constant 0 : i32
        %dma_wait3A_49 = arith.constant 0 : i32
        %dma_wait3A_50 = tpu.memref_slice %arg9[%dma_wait3A_48, %dma_wait3A_49] : memref<95x128xi32, #tpu.memory_space<vmem>> -> memref<95x128xi32, #tpu.memory_space<vmem>>
        %dma_wait3A_51 = arith.constant 0 : i32
        %dma_wait3A_52 = arith.constant 0 : i32
        %dma_wait3A_53 = tpu.memref_slice %arg3[%arg1, %dma_wait3A_51, %dma_wait3A_52] : memref<16x95x128xi32, #tpu.memory_space<hbm>> -> memref<1x95x128xi32, #tpu.memory_space<hbm>>
        %dma_wait3A_54 = tpu.memref_squeeze %dma_wait3A_53 : memref<1x95x128xi32, #tpu.memory_space<hbm>> -> memref<95x128xi32, #tpu.memory_space<hbm>>
        tpu.wait_dma2 semaphore(%run_scoped3A : memref<!tpu.dma_semaphore, #tpu.memory_space<semaphore_mem>>) src(%dma_wait3A_54 : memref<95x128xi32, #tpu.memory_space<hbm>>) dst(%dma_wait3A_50 : memref<95x128xi32, #tpu.memory_space<vmem>>)
        tpu.yield
      }) : () -> ()
      "tpu.region"() ({
        %run_scoped3A = tpu.sem_alloc : memref<!tpu.dma_semaphore, #tpu.memory_space<semaphore_mem>>
        %dma_start3A = arith.constant 0 : i32
        %dma_start3A_29 = arith.constant 0 : i32
        %dma_start3A_30 = tpu.memref_slice %arg10[%dma_start3A, %dma_start3A_29] : memref<95x128xi32, #tpu.memory_space<vmem>> -> memref<95x128xi32, #tpu.memory_space<vmem>>
        %dma_start3A_31 = arith.constant 0 : i32
        %dma_start3A_32 = arith.constant 0 : i32
        %dma_start3A_33 = tpu.memref_slice %arg4[%arg1, %dma_start3A_31, %dma_start3A_32] : memref<16x95x128xi32, #tpu.memory_space<hbm>> -> memref<1x95x128xi32, #tpu.memory_space<hbm>>
        %dma_start3A_34 = tpu.memref_squeeze %dma_start3A_33 : memref<1x95x128xi32, #tpu.memory_space<hbm>> -> memref<95x128xi32, #tpu.memory_space<hbm>>
        %dma_start3A_35 = arith.constant 0 : i32
        %dma_start3A_36 = arith.constant 0 : i32
        %dma_start3A_37 = tpu.memref_slice %arg10[%dma_start3A_35, %dma_start3A_36] : memref<95x128xi32, #tpu.memory_space<vmem>> -> memref<95x128xi32, #tpu.memory_space<vmem>>
        %dma_start3A_38 = arith.constant 0 : i32
        %dma_start3A_39 = arith.constant 0 : i32
        %dma_start3A_40 = tpu.memref_slice %arg4[%arg1, %dma_start3A_38, %dma_start3A_39] : memref<16x95x128xi32, #tpu.memory_space<hbm>> -> memref<1x95x128xi32, #tpu.memory_space<hbm>>
        %dma_start3A_41 = tpu.memref_squeeze %dma_start3A_40 : memref<1x95x128xi32, #tpu.memory_space<hbm>> -> memref<95x128xi32, #tpu.memory_space<hbm>>
        tpu.enqueue_dma source(%dma_start3A_41 : memref<95x128xi32, #tpu.memory_space<hbm>>) target(%dma_start3A_37 : memref<95x128xi32, #tpu.memory_space<vmem>>) target_semaphore(%run_scoped3A : memref<!tpu.dma_semaphore, #tpu.memory_space<semaphore_mem>>)
        %dma_wait3A = arith.constant 0 : i32
        %dma_wait3A_42 = arith.constant 0 : i32
        %dma_wait3A_43 = tpu.memref_slice %arg10[%dma_wait3A, %dma_wait3A_42] : memref<95x128xi32, #tpu.memory_space<vmem>> -> memref<95x128xi32, #tpu.memory_space<vmem>>
        %dma_wait3A_44 = arith.constant 0 : i32
        %dma_wait3A_45 = arith.constant 0 : i32
        %dma_wait3A_46 = tpu.memref_slice %arg4[%arg1, %dma_wait3A_44, %dma_wait3A_45] : memref<16x95x128xi32, #tpu.memory_space<hbm>> -> memref<1x95x128xi32, #tpu.memory_space<hbm>>
        %dma_wait3A_47 = tpu.memref_squeeze %dma_wait3A_46 : memref<1x95x128xi32, #tpu.memory_space<hbm>> -> memref<95x128xi32, #tpu.memory_space<hbm>>
        %dma_wait3A_48 = arith.constant 0 : i32
        %dma_wait3A_49 = arith.constant 0 : i32
        %dma_wait3A_50 = tpu.memref_slice %arg10[%dma_wait3A_48, %dma_wait3A_49] : memref<95x128xi32, #tpu.memory_space<vmem>> -> memref<95x128xi32, #tpu.memory_space<vmem>>
        %dma_wait3A_51 = arith.constant 0 : i32
        %dma_wait3A_52 = arith.constant 0 : i32
        %dma_wait3A_53 = tpu.memref_slice %arg4[%arg1, %dma_wait3A_51, %dma_wait3A_52] : memref<16x95x128xi32, #tpu.memory_space<hbm>> -> memref<1x95x128xi32, #tpu.memory_space<hbm>>
        %dma_wait3A_54 = tpu.memref_squeeze %dma_wait3A_53 : memref<1x95x128xi32, #tpu.memory_space<hbm>> -> memref<95x128xi32, #tpu.memory_space<hbm>>
        tpu.wait_dma2 semaphore(%run_scoped3A : memref<!tpu.dma_semaphore, #tpu.memory_space<semaphore_mem>>) src(%dma_wait3A_54 : memref<95x128xi32, #tpu.memory_space<hbm>>) dst(%dma_wait3A_50 : memref<95x128xi32, #tpu.memory_space<vmem>>)
        tpu.yield
      }) : () -> ()
    } else {
    }
    %ne3A = arith.constant 0 : i32
    %ne3A_6 = arith.cmpi ne, %arg0, %ne3A : i32
    %convert_element_type3A_7 = arith.extui %ne3A_6 : i1 to i32
    %cond3A_8 = arith.constant 0 : i32
    %cond3A_9 = arith.cmpi ne, %convert_element_type3A_7, %cond3A_8 : i32
    scf.if %cond3A_9 {
      "tpu.region"() ({
        %run_scoped3A = tpu.sem_alloc : memref<!tpu.dma_semaphore, #tpu.memory_space<semaphore_mem>>
        %dma_start3A = arith.constant 0 : i32
        %dma_start3A_29 = arith.constant 0 : i32
        %dma_start3A_30 = tpu.memref_slice %arg9[%dma_start3A, %dma_start3A_29] : memref<95x128xi32, #tpu.memory_space<vmem>> -> memref<62x128xi32, #tpu.memory_space<vmem>>
        %dma_start3A_31 = arith.constant 0 : i32
        %dma_start3A_32 = arith.constant 0 : i32
        %dma_start3A_33 = tpu.memref_slice %arg5[%arg1, %dma_start3A_31, %dma_start3A_32] : memref<16x62x128xi32, #tpu.memory_space<hbm>> -> memref<1x62x128xi32, #tpu.memory_space<hbm>>
        %dma_start3A_34 = tpu.memref_squeeze %dma_start3A_33 : memref<1x62x128xi32, #tpu.memory_space<hbm>> -> memref<62x128xi32, #tpu.memory_space<hbm>>
        %dma_start3A_35 = arith.constant 0 : i32
        %dma_start3A_36 = arith.constant 0 : i32
        %dma_start3A_37 = tpu.memref_slice %arg9[%dma_start3A_35, %dma_start3A_36] : memref<95x128xi32, #tpu.memory_space<vmem>> -> memref<62x128xi32, #tpu.memory_space<vmem>>
        %dma_start3A_38 = arith.constant 0 : i32
        %dma_start3A_39 = arith.constant 0 : i32
        %dma_start3A_40 = tpu.memref_slice %arg5[%arg1, %dma_start3A_38, %dma_start3A_39] : memref<16x62x128xi32, #tpu.memory_space<hbm>> -> memref<1x62x128xi32, #tpu.memory_space<hbm>>
        %dma_start3A_41 = tpu.memref_squeeze %dma_start3A_40 : memref<1x62x128xi32, #tpu.memory_space<hbm>> -> memref<62x128xi32, #tpu.memory_space<hbm>>
        tpu.enqueue_dma source(%dma_start3A_41 : memref<62x128xi32, #tpu.memory_space<hbm>>) target(%dma_start3A_37 : memref<62x128xi32, #tpu.memory_space<vmem>>) target_semaphore(%run_scoped3A : memref<!tpu.dma_semaphore, #tpu.memory_space<semaphore_mem>>)
        %dma_wait3A = arith.constant 0 : i32
        %dma_wait3A_42 = arith.constant 0 : i32
        %dma_wait3A_43 = tpu.memref_slice %arg9[%dma_wait3A, %dma_wait3A_42] : memref<95x128xi32, #tpu.memory_space<vmem>> -> memref<62x128xi32, #tpu.memory_space<vmem>>
        %dma_wait3A_44 = arith.constant 0 : i32
        %dma_wait3A_45 = arith.constant 0 : i32
        %dma_wait3A_46 = tpu.memref_slice %arg5[%arg1, %dma_wait3A_44, %dma_wait3A_45] : memref<16x62x128xi32, #tpu.memory_space<hbm>> -> memref<1x62x128xi32, #tpu.memory_space<hbm>>
        %dma_wait3A_47 = tpu.memref_squeeze %dma_wait3A_46 : memref<1x62x128xi32, #tpu.memory_space<hbm>> -> memref<62x128xi32, #tpu.memory_space<hbm>>
        %dma_wait3A_48 = arith.constant 0 : i32
        %dma_wait3A_49 = arith.constant 0 : i32
        %dma_wait3A_50 = tpu.memref_slice %arg9[%dma_wait3A_48, %dma_wait3A_49] : memref<95x128xi32, #tpu.memory_space<vmem>> -> memref<62x128xi32, #tpu.memory_space<vmem>>
        %dma_wait3A_51 = arith.constant 0 : i32
        %dma_wait3A_52 = arith.constant 0 : i32
        %dma_wait3A_53 = tpu.memref_slice %arg5[%arg1, %dma_wait3A_51, %dma_wait3A_52] : memref<16x62x128xi32, #tpu.memory_space<hbm>> -> memref<1x62x128xi32, #tpu.memory_space<hbm>>
        %dma_wait3A_54 = tpu.memref_squeeze %dma_wait3A_53 : memref<1x62x128xi32, #tpu.memory_space<hbm>> -> memref<62x128xi32, #tpu.memory_space<hbm>>
        tpu.wait_dma2 semaphore(%run_scoped3A : memref<!tpu.dma_semaphore, #tpu.memory_space<semaphore_mem>>) src(%dma_wait3A_54 : memref<62x128xi32, #tpu.memory_space<hbm>>) dst(%dma_wait3A_50 : memref<62x128xi32, #tpu.memory_space<vmem>>)
        tpu.yield
      }) : () -> ()
      "tpu.region"() ({
        %run_scoped3A = tpu.sem_alloc : memref<!tpu.dma_semaphore, #tpu.memory_space<semaphore_mem>>
        %dma_start3A = arith.constant 0 : i32
        %dma_start3A_29 = arith.constant 0 : i32
        %dma_start3A_30 = tpu.memref_slice %arg10[%dma_start3A, %dma_start3A_29] : memref<95x128xi32, #tpu.memory_space<vmem>> -> memref<62x128xi32, #tpu.memory_space<vmem>>
        %dma_start3A_31 = arith.constant 0 : i32
        %dma_start3A_32 = arith.constant 0 : i32
        %dma_start3A_33 = tpu.memref_slice %arg6[%arg1, %dma_start3A_31, %dma_start3A_32] : memref<16x62x128xi32, #tpu.memory_space<hbm>> -> memref<1x62x128xi32, #tpu.memory_space<hbm>>
        %dma_start3A_34 = tpu.memref_squeeze %dma_start3A_33 : memref<1x62x128xi32, #tpu.memory_space<hbm>> -> memref<62x128xi32, #tpu.memory_space<hbm>>
        %dma_start3A_35 = arith.constant 0 : i32
        %dma_start3A_36 = arith.constant 0 : i32
        %dma_start3A_37 = tpu.memref_slice %arg10[%dma_start3A_35, %dma_start3A_36] : memref<95x128xi32, #tpu.memory_space<vmem>> -> memref<62x128xi32, #tpu.memory_space<vmem>>
        %dma_start3A_38 = arith.constant 0 : i32
        %dma_start3A_39 = arith.constant 0 : i32
        %dma_start3A_40 = tpu.memref_slice %arg6[%arg1, %dma_start3A_38, %dma_start3A_39] : memref<16x62x128xi32, #tpu.memory_space<hbm>> -> memref<1x62x128xi32, #tpu.memory_space<hbm>>
        %dma_start3A_41 = tpu.memref_squeeze %dma_start3A_40 : memref<1x62x128xi32, #tpu.memory_space<hbm>> -> memref<62x128xi32, #tpu.memory_space<hbm>>
        tpu.enqueue_dma source(%dma_start3A_41 : memref<62x128xi32, #tpu.memory_space<hbm>>) target(%dma_start3A_37 : memref<62x128xi32, #tpu.memory_space<vmem>>) target_semaphore(%run_scoped3A : memref<!tpu.dma_semaphore, #tpu.memory_space<semaphore_mem>>)
        %dma_wait3A = arith.constant 0 : i32
        %dma_wait3A_42 = arith.constant 0 : i32
        %dma_wait3A_43 = tpu.memref_slice %arg10[%dma_wait3A, %dma_wait3A_42] : memref<95x128xi32, #tpu.memory_space<vmem>> -> memref<62x128xi32, #tpu.memory_space<vmem>>
        %dma_wait3A_44 = arith.constant 0 : i32
        %dma_wait3A_45 = arith.constant 0 : i32
        %dma_wait3A_46 = tpu.memref_slice %arg6[%arg1, %dma_wait3A_44, %dma_wait3A_45] : memref<16x62x128xi32, #tpu.memory_space<hbm>> -> memref<1x62x128xi32, #tpu.memory_space<hbm>>
        %dma_wait3A_47 = tpu.memref_squeeze %dma_wait3A_46 : memref<1x62x128xi32, #tpu.memory_space<hbm>> -> memref<62x128xi32, #tpu.memory_space<hbm>>
        %dma_wait3A_48 = arith.constant 0 : i32
        %dma_wait3A_49 = arith.constant 0 : i32
        %dma_wait3A_50 = tpu.memref_slice %arg10[%dma_wait3A_48, %dma_wait3A_49] : memref<95x128xi32, #tpu.memory_space<vmem>> -> memref<62x128xi32, #tpu.memory_space<vmem>>
        %dma_wait3A_51 = arith.constant 0 : i32
        %dma_wait3A_52 = arith.constant 0 : i32
        %dma_wait3A_53 = tpu.memref_slice %arg6[%arg1, %dma_wait3A_51, %dma_wait3A_52] : memref<16x62x128xi32, #tpu.memory_space<hbm>> -> memref<1x62x128xi32, #tpu.memory_space<hbm>>
        %dma_wait3A_54 = tpu.memref_squeeze %dma_wait3A_53 : memref<1x62x128xi32, #tpu.memory_space<hbm>> -> memref<62x128xi32, #tpu.memory_space<hbm>>
        tpu.wait_dma2 semaphore(%run_scoped3A : memref<!tpu.dma_semaphore, #tpu.memory_space<semaphore_mem>>) src(%dma_wait3A_54 : memref<62x128xi32, #tpu.memory_space<hbm>>) dst(%dma_wait3A_50 : memref<62x128xi32, #tpu.memory_space<vmem>>)
        tpu.yield
      }) : () -> ()
    } else {
    }
    %barrier3A = arith.constant 0 : index
    tpu.barrier barrier_id(%barrier3A)
    %while3A = arith.constant 0 : i32
    %while3A_10 = arith.constant 0 : i32
    %while3A_11 = arith.subi %select_n3A, %while3A_10 : i32
    %while3A_12 = arith.addi %while3A_10, %while3A_11 : i32
    %while3A_13 = arith.constant 1 : i32
    %while3A_14 = arith.divsi %while3A_11, %while3A_13 : i32
    %while3A_15 = arith.muli %while3A_14, %while3A_13 : i32
    %while3A_16 = arith.addi %while3A_10, %while3A_15 : i32
    %while3A_17 = arith.constant 1 : i32
    scf.for %while3A_29 = %while3A_10 to %while3A_16 step %while3A_17  : i32 {
      %dma_start3A = arith.constant 0 : i32
      %dma_start3A_30 = tpu.memref_slice %arg9[%while3A_29, %dma_start3A] : memref<95x128xi32, #tpu.memory_space<vmem>> -> memref<1x128xi32, #tpu.memory_space<vmem>>
      %dma_start3A_31 = tpu.memref_squeeze %dma_start3A_30 : memref<1x128xi32, #tpu.memory_space<vmem>> -> memref<128xi32, #tpu.memory_space<vmem>>
      %dma_start3A_32 = arith.constant 0 : i32
      %dma_start3A_33 = arith.constant 0 : i32
      %dma_start3A_34 = tpu.memref_slice %arg2[%dma_start3A_32, %dma_start3A_33] : memref<10000x128xf32, #tpu.memory_space<hbm>> -> memref<10000x128xf32, #tpu.memory_space<hbm>>
      tpu.enqueue_indirect_dma source(%dma_start3A_34 : memref<10000x128xf32, #tpu.memory_space<hbm>>) target(%arg11 : memref<128x128xf32, #tpu.memory_space<vmem>>) offsets(%dma_start3A_31 : memref<128xi32, #tpu.memory_space<vmem>>) semaphore(%arg13 : memref<!tpu.dma_semaphore, #tpu.memory_space<semaphore_mem>>)
      %dma_wait3A = arith.constant 0 : i32
      %dma_wait3A_35 = tpu.memref_slice %arg9[%while3A_29, %dma_wait3A] : memref<95x128xi32, #tpu.memory_space<vmem>> -> memref<1x128xi32, #tpu.memory_space<vmem>>
      %dma_wait3A_36 = tpu.memref_squeeze %dma_wait3A_35 : memref<1x128xi32, #tpu.memory_space<vmem>> -> memref<128xi32, #tpu.memory_space<vmem>>
      %dma_wait3A_37 = arith.constant 0 : i32
      %dma_wait3A_38 = arith.constant 0 : i32
      %dma_wait3A_39 = tpu.memref_slice %arg2[%dma_wait3A_37, %dma_wait3A_38] : memref<10000x128xf32, #tpu.memory_space<hbm>> -> memref<10000x128xf32, #tpu.memory_space<hbm>>
      tpu.wait_indirect_dma semaphore(%arg13 : memref<!tpu.dma_semaphore, #tpu.memory_space<semaphore_mem>>) src(%dma_wait3A_39 : memref<10000x128xf32, #tpu.memory_space<hbm>>) dst(%arg11 : memref<128x128xf32, #tpu.memory_space<vmem>>)
      "tpu.region"() ({
        %run_scoped3A = tpu.sem_alloc : memref<!tpu.dma_semaphore, #tpu.memory_space<semaphore_mem>>
        %dma_start3A_40 = arith.constant 0 : i32
        %dma_start3A_41 = tpu.memref_slice %arg10[%while3A_29, %dma_start3A_40] : memref<95x128xi32, #tpu.memory_space<vmem>> -> memref<1x128xi32, #tpu.memory_space<vmem>>
        %dma_start3A_42 = tpu.memref_squeeze %dma_start3A_41 : memref<1x128xi32, #tpu.memory_space<vmem>> -> memref<128xi32, #tpu.memory_space<vmem>>
        %dma_start3A_43 = arith.constant 0 : i32
        %dma_start3A_44 = arith.constant 0 : i32
        %dma_start3A_45 = tpu.memref_slice %arg12[%dma_start3A_43, %dma_start3A_44] : memref<10112x128xf32, #tpu.memory_space<vmem_shared>> -> memref<10112x128xf32, #tpu.memory_space<vmem_shared>>
        tpu.enqueue_indirect_dma source(%arg11 : memref<128x128xf32, #tpu.memory_space<vmem>>) target(%dma_start3A_45 : memref<10112x128xf32, #tpu.memory_space<vmem_shared>>) offsets(%dma_start3A_42 : memref<128xi32, #tpu.memory_space<vmem>>) semaphore(%run_scoped3A : memref<!tpu.dma_semaphore, #tpu.memory_space<semaphore_mem>>) {add = true}
        %dma_wait3A_46 = arith.constant 0 : i32
        %dma_wait3A_47 = tpu.memref_slice %arg10[%while3A_29, %dma_wait3A_46] : memref<95x128xi32, #tpu.memory_space<vmem>> -> memref<1x128xi32, #tpu.memory_space<vmem>>
        %dma_wait3A_48 = tpu.memref_squeeze %dma_wait3A_47 : memref<1x128xi32, #tpu.memory_space<vmem>> -> memref<128xi32, #tpu.memory_space<vmem>>
        %dma_wait3A_49 = arith.constant 0 : i32
        %dma_wait3A_50 = arith.constant 0 : i32
        %dma_wait3A_51 = tpu.memref_slice %arg12[%dma_wait3A_49, %dma_wait3A_50] : memref<10112x128xf32, #tpu.memory_space<vmem_shared>> -> memref<10112x128xf32, #tpu.memory_space<vmem_shared>>
        tpu.wait_indirect_dma semaphore(%run_scoped3A : memref<!tpu.dma_semaphore, #tpu.memory_space<semaphore_mem>>) src(%arg11 : memref<128x128xf32, #tpu.memory_space<vmem>>) dst(%dma_wait3A_51 : memref<10112x128xf32, #tpu.memory_space<vmem_shared>>)
        tpu.yield
      }) : () -> ()
    }
    %while3A_18 = arith.constant 1 : i32
    scf.for %while3A_29 = %while3A_16 to %while3A_12 step %while3A_18  : i32 {
      %dma_start3A = arith.constant 0 : i32
      %dma_start3A_30 = tpu.memref_slice %arg9[%while3A_29, %dma_start3A] : memref<95x128xi32, #tpu.memory_space<vmem>> -> memref<1x128xi32, #tpu.memory_space<vmem>>
      %dma_start3A_31 = tpu.memref_squeeze %dma_start3A_30 : memref<1x128xi32, #tpu.memory_space<vmem>> -> memref<128xi32, #tpu.memory_space<vmem>>
      %dma_start3A_32 = arith.constant 0 : i32
      %dma_start3A_33 = arith.constant 0 : i32
      %dma_start3A_34 = tpu.memref_slice %arg2[%dma_start3A_32, %dma_start3A_33] : memref<10000x128xf32, #tpu.memory_space<hbm>> -> memref<10000x128xf32, #tpu.memory_space<hbm>>
      tpu.enqueue_indirect_dma source(%dma_start3A_34 : memref<10000x128xf32, #tpu.memory_space<hbm>>) target(%arg11 : memref<128x128xf32, #tpu.memory_space<vmem>>) offsets(%dma_start3A_31 : memref<128xi32, #tpu.memory_space<vmem>>) semaphore(%arg13 : memref<!tpu.dma_semaphore, #tpu.memory_space<semaphore_mem>>)
      %dma_wait3A = arith.constant 0 : i32
      %dma_wait3A_35 = tpu.memref_slice %arg9[%while3A_29, %dma_wait3A] : memref<95x128xi32, #tpu.memory_space<vmem>> -> memref<1x128xi32, #tpu.memory_space<vmem>>
      %dma_wait3A_36 = tpu.memref_squeeze %dma_wait3A_35 : memref<1x128xi32, #tpu.memory_space<vmem>> -> memref<128xi32, #tpu.memory_space<vmem>>
      %dma_wait3A_37 = arith.constant 0 : i32
      %dma_wait3A_38 = arith.constant 0 : i32
      %dma_wait3A_39 = tpu.memref_slice %arg2[%dma_wait3A_37, %dma_wait3A_38] : memref<10000x128xf32, #tpu.memory_space<hbm>> -> memref<10000x128xf32, #tpu.memory_space<hbm>>
      tpu.wait_indirect_dma semaphore(%arg13 : memref<!tpu.dma_semaphore, #tpu.memory_space<semaphore_mem>>) src(%dma_wait3A_39 : memref<10000x128xf32, #tpu.memory_space<hbm>>) dst(%arg11 : memref<128x128xf32, #tpu.memory_space<vmem>>)
      "tpu.region"() ({
        %run_scoped3A = tpu.sem_alloc : memref<!tpu.dma_semaphore, #tpu.memory_space<semaphore_mem>>
        %dma_start3A_40 = arith.constant 0 : i32
        %dma_start3A_41 = tpu.memref_slice %arg10[%while3A_29, %dma_start3A_40] : memref<95x128xi32, #tpu.memory_space<vmem>> -> memref<1x128xi32, #tpu.memory_space<vmem>>
        %dma_start3A_42 = tpu.memref_squeeze %dma_start3A_41 : memref<1x128xi32, #tpu.memory_space<vmem>> -> memref<128xi32, #tpu.memory_space<vmem>>
        %dma_start3A_43 = arith.constant 0 : i32
        %dma_start3A_44 = arith.constant 0 : i32
        %dma_start3A_45 = tpu.memref_slice %arg12[%dma_start3A_43, %dma_start3A_44] : memref<10112x128xf32, #tpu.memory_space<vmem_shared>> -> memref<10112x128xf32, #tpu.memory_space<vmem_shared>>
        tpu.enqueue_indirect_dma source(%arg11 : memref<128x128xf32, #tpu.memory_space<vmem>>) target(%dma_start3A_45 : memref<10112x128xf32, #tpu.memory_space<vmem_shared>>) offsets(%dma_start3A_42 : memref<128xi32, #tpu.memory_space<vmem>>) semaphore(%run_scoped3A : memref<!tpu.dma_semaphore, #tpu.memory_space<semaphore_mem>>) {add = true}
        %dma_wait3A_46 = arith.constant 0 : i32
        %dma_wait3A_47 = tpu.memref_slice %arg10[%while3A_29, %dma_wait3A_46] : memref<95x128xi32, #tpu.memory_space<vmem>> -> memref<1x128xi32, #tpu.memory_space<vmem>>
        %dma_wait3A_48 = tpu.memref_squeeze %dma_wait3A_47 : memref<1x128xi32, #tpu.memory_space<vmem>> -> memref<128xi32, #tpu.memory_space<vmem>>
        %dma_wait3A_49 = arith.constant 0 : i32
        %dma_wait3A_50 = arith.constant 0 : i32
        %dma_wait3A_51 = tpu.memref_slice %arg12[%dma_wait3A_49, %dma_wait3A_50] : memref<10112x128xf32, #tpu.memory_space<vmem_shared>> -> memref<10112x128xf32, #tpu.memory_space<vmem_shared>>
        tpu.wait_indirect_dma semaphore(%run_scoped3A : memref<!tpu.dma_semaphore, #tpu.memory_space<semaphore_mem>>) src(%arg11 : memref<128x128xf32, #tpu.memory_space<vmem>>) dst(%dma_wait3A_51 : memref<10112x128xf32, #tpu.memory_space<vmem_shared>>)
        tpu.yield
      }) : () -> ()
    }
    %barrier3A_19 = arith.constant 0 : index
    tpu.barrier barrier_id(%barrier3A_19)
    %mul3A_20 = arith.constant 624 : i32
    %mul3A_21 = arith.muli %arg1, %mul3A_20 : i32
    %mul3A_22 = arith.constant 624 : i32
    %mul3A_23 = arith.muli %arg1, %mul3A_22 : i32
    "tpu.region"() ({
      %run_scoped3A = tpu.sem_alloc : memref<!tpu.dma_semaphore, #tpu.memory_space<semaphore_mem>>
      %dma_start3A = arith.constant 0 : i32
      %dma_start3A_29 = arith.constant 0 : i32
      %dma_start3A_30 = tpu.memref_slice %arg8[%arg0, %dma_start3A, %dma_start3A_29] : memref<2x10000x128xf32, #tpu.memory_space<hbm>> -> memref<1x10000x128xf32, #tpu.memory_space<hbm>>
      %dma_start3A_31 = tpu.memref_squeeze %dma_start3A_30 : memref<1x10000x128xf32, #tpu.memory_space<hbm>> -> memref<10000x128xf32, #tpu.memory_space<hbm>>
      %dma_start3A_32 = arith.constant 0 : i32
      %dma_start3A_33 = tpu.memref_slice %dma_start3A_31[%mul3A_23, %dma_start3A_32] : memref<10000x128xf32, #tpu.memory_space<hbm>> -> memref<624x128xf32, #tpu.memory_space<hbm>>
      %dma_start3A_34 = arith.constant 0 : i32
      %dma_start3A_35 = tpu.memref_slice %arg12[%mul3A_21, %dma_start3A_34] : memref<10112x128xf32, #tpu.memory_space<vmem_shared>> -> memref<624x128xf32, #tpu.memory_space<vmem_shared>>
      tpu.enqueue_dma source(%dma_start3A_35 : memref<624x128xf32, #tpu.memory_space<vmem_shared>>) target(%dma_start3A_33 : memref<624x128xf32, #tpu.memory_space<hbm>>) target_semaphore(%run_scoped3A : memref<!tpu.dma_semaphore, #tpu.memory_space<semaphore_mem>>)
      %dma_wait3A = arith.constant 0 : i32
      %dma_wait3A_36 = arith.constant 0 : i32
      %dma_wait3A_37 = tpu.memref_slice %arg8[%arg0, %dma_wait3A, %dma_wait3A_36] : memref<2x10000x128xf32, #tpu.memory_space<hbm>> -> memref<1x10000x128xf32, #tpu.memory_space<hbm>>
      %dma_wait3A_38 = tpu.memref_squeeze %dma_wait3A_37 : memref<1x10000x128xf32, #tpu.memory_space<hbm>> -> memref<10000x128xf32, #tpu.memory_space<hbm>>
      %dma_wait3A_39 = arith.constant 0 : i32
      %dma_wait3A_40 = tpu.memref_slice %dma_wait3A_38[%mul3A_23, %dma_wait3A_39] : memref<10000x128xf32, #tpu.memory_space<hbm>> -> memref<624x128xf32, #tpu.memory_space<hbm>>
      %dma_wait3A_41 = arith.constant 0 : i32
      %dma_wait3A_42 = tpu.memref_slice %arg12[%mul3A_21, %dma_wait3A_41] : memref<10112x128xf32, #tpu.memory_space<vmem_shared>> -> memref<624x128xf32, #tpu.memory_space<vmem_shared>>
      tpu.wait_dma2 semaphore(%run_scoped3A : memref<!tpu.dma_semaphore, #tpu.memory_space<semaphore_mem>>) src(%dma_wait3A_42 : memref<624x128xf32, #tpu.memory_space<vmem_shared>>) dst(%dma_wait3A_40 : memref<624x128xf32, #tpu.memory_space<hbm>>)
      tpu.yield
    }) : () -> ()
    %eq3A_24 = arith.constant 15 : i32
    %eq3A_25 = arith.cmpi eq, %arg1, %eq3A_24 : i32
    %convert_element_type3A_26 = arith.extui %eq3A_25 : i1 to i32
    %cond3A_27 = arith.constant 0 : i32
    %cond3A_28 = arith.cmpi ne, %convert_element_type3A_26, %cond3A_27 : i32
    scf.if %cond3A_28 {
      "tpu.region"() ({
        %run_scoped3A = tpu.sem_alloc : memref<!tpu.dma_semaphore, #tpu.memory_space<semaphore_mem>>
        %dma_start3A = arith.constant 0 : i32
        %dma_start3A_29 = arith.constant 0 : i32
        %dma_start3A_30 = tpu.memref_slice %arg8[%arg0, %dma_start3A, %dma_start3A_29] : memref<2x10000x128xf32, #tpu.memory_space<hbm>> -> memref<1x10000x128xf32, #tpu.memory_space<hbm>>
        %dma_start3A_31 = tpu.memref_squeeze %dma_start3A_30 : memref<1x10000x128xf32, #tpu.memory_space<hbm>> -> memref<10000x128xf32, #tpu.memory_space<hbm>>
        %dma_start3A_32 = arith.constant 9984 : i32
        %dma_start3A_33 = arith.constant 0 : i32
        %dma_start3A_34 = tpu.memref_slice %dma_start3A_31[%dma_start3A_32, %dma_start3A_33] : memref<10000x128xf32, #tpu.memory_space<hbm>> -> memref<16x128xf32, #tpu.memory_space<hbm>>
        %dma_start3A_35 = arith.constant 9984 : i32
        %dma_start3A_36 = arith.constant 0 : i32
        %dma_start3A_37 = tpu.memref_slice %arg12[%dma_start3A_35, %dma_start3A_36] : memref<10112x128xf32, #tpu.memory_space<vmem_shared>> -> memref<16x128xf32, #tpu.memory_space<vmem_shared>>
        tpu.enqueue_dma source(%dma_start3A_37 : memref<16x128xf32, #tpu.memory_space<vmem_shared>>) target(%dma_start3A_34 : memref<16x128xf32, #tpu.memory_space<hbm>>) target_semaphore(%run_scoped3A : memref<!tpu.dma_semaphore, #tpu.memory_space<semaphore_mem>>)
        %dma_wait3A = arith.constant 0 : i32
        %dma_wait3A_38 = arith.constant 0 : i32
        %dma_wait3A_39 = tpu.memref_slice %arg8[%arg0, %dma_wait3A, %dma_wait3A_38] : memref<2x10000x128xf32, #tpu.memory_space<hbm>> -> memref<1x10000x128xf32, #tpu.memory_space<hbm>>
        %dma_wait3A_40 = tpu.memref_squeeze %dma_wait3A_39 : memref<1x10000x128xf32, #tpu.memory_space<hbm>> -> memref<10000x128xf32, #tpu.memory_space<hbm>>
        %dma_wait3A_41 = arith.constant 9984 : i32
        %dma_wait3A_42 = arith.constant 0 : i32
        %dma_wait3A_43 = tpu.memref_slice %dma_wait3A_40[%dma_wait3A_41, %dma_wait3A_42] : memref<10000x128xf32, #tpu.memory_space<hbm>> -> memref<16x128xf32, #tpu.memory_space<hbm>>
        %dma_wait3A_44 = arith.constant 9984 : i32
        %dma_wait3A_45 = arith.constant 0 : i32
        %dma_wait3A_46 = tpu.memref_slice %arg12[%dma_wait3A_44, %dma_wait3A_45] : memref<10112x128xf32, #tpu.memory_space<vmem_shared>> -> memref<16x128xf32, #tpu.memory_space<vmem_shared>>
        tpu.wait_dma2 semaphore(%run_scoped3A : memref<!tpu.dma_semaphore, #tpu.memory_space<semaphore_mem>>) src(%dma_wait3A_46 : memref<16x128xf32, #tpu.memory_space<vmem_shared>>) dst(%dma_wait3A_43 : memref<16x128xf32, #tpu.memory_space<hbm>>)
        tpu.yield
      }) : () -> ()
    } else {
    }
    return
  }
}

module attributes {stable_mosaic.version = 14 : i64} {
  func.func @_mlp2_body(%arg0: i32, %arg1: memref<1000x128xf32, #tpu.memory_space<vmem>>, %arg2: memref<2x1000x128xf32, #tpu.memory_space<vmem>>, %arg3: memref<128x128xf32, #tpu.memory_space<vmem>>, %arg4: memref<1x128xf32, #tpu.memory_space<vmem>>, %arg5: memref<128x128xf32, #tpu.memory_space<vmem>>, %arg6: memref<1x128xf32, #tpu.memory_space<vmem>>, %arg7: memref<1000x128xf32, #tpu.memory_space<vmem>>) attributes {dimension_semantics = [#tpu.dimension_semantics<arbitrary>], iteration_bounds = array<i64: 10>, scalar_prefetch = 0 : i64, scratch_operands = 0 : i64, tpu.core_type = #tpu.core_type<tc>, window_params = [{transform_indices = @transform_0, window_bounds = array<i64: 1000, 128>}, {transform_indices = @transform_1, window_bounds = array<i64: 2, 1000, 128>}, {pipeline_mode = #tpu.pipeline_mode<synchronous>, transform_indices = @transform_2, window_bounds = array<i64: 128, 128>}, {pipeline_mode = #tpu.pipeline_mode<synchronous>, transform_indices = @transform_3, window_bounds = array<i64: 1, 128>}, {pipeline_mode = #tpu.pipeline_mode<synchronous>, transform_indices = @transform_4, window_bounds = array<i64: 128, 128>}, {pipeline_mode = #tpu.pipeline_mode<synchronous>, transform_indices = @transform_5, window_bounds = array<i64: 1, 128>}, {transform_indices = @transform_6, window_bounds = array<i64: 1000, 128>}]} {
    %get3A = arith.constant 0 : index
    %get3A_0 = arith.constant 0 : index
    %get3A_1 = vector.load %arg1[%get3A, %get3A_0] : memref<1000x128xf32, #tpu.memory_space<vmem>>, vector<1000x128xf32>
    %get3A_2 = arith.constant 0 : index
    %get3A_3 = arith.constant 0 : index
    %get3A_4 = arith.constant 0 : index
    %get3A_5 = vector.load %arg2[%get3A_2, %get3A_3, %get3A_4] : memref<2x1000x128xf32, #tpu.memory_space<vmem>>, vector<1x1000x128xf32>
    %get3A_6 = vector.shape_cast %get3A_5 : vector<1x1000x128xf32> to vector<1000x128xf32>
    %add3A = arith.addf %get3A_1, %get3A_6 : vector<1000x128xf32>
    %get3A_7 = arith.constant 1 : index
    %get3A_8 = arith.constant 0 : index
    %get3A_9 = arith.constant 0 : index
    %get3A_10 = vector.load %arg2[%get3A_7, %get3A_8, %get3A_9] : memref<2x1000x128xf32, #tpu.memory_space<vmem>>, vector<1x1000x128xf32>
    %get3A_11 = vector.shape_cast %get3A_10 : vector<1x1000x128xf32> to vector<1000x128xf32>
    %add3A_12 = arith.addf %add3A, %get3A_11 : vector<1000x128xf32>
    %get3A_13 = arith.constant 0 : index
    %get3A_14 = arith.constant 0 : index
    %get3A_15 = vector.load %arg3[%get3A_13, %get3A_14] : memref<128x128xf32, #tpu.memory_space<vmem>>, vector<128x128xf32>
    %dot_general3A = arith.constant dense<0.000000e+00> : vector<1000x128xf32>
    %dot_general3A_16 = tpu.matmul %add3A_12, %get3A_15, %dot_general3A {dimension_numbers = #tpu.dot_dimension_numbers<[1], [0], [0], [1], [0, 0, 1, 1], [], []>, transpose_lhs_hint = false} : vector<1000x128xf32>, vector<128x128xf32>, vector<1000x128xf32> -> vector<1000x128xf32>
    %get3A_17 = arith.constant 0 : index
    %get3A_18 = arith.constant 0 : index
    %get3A_19 = vector.load %arg4[%get3A_17, %get3A_18] : memref<1x128xf32, #tpu.memory_space<vmem>>, vector<1x128xf32>
    %add3A_20 = vector.broadcast %get3A_19 : vector<1x128xf32> to vector<1000x128xf32>
    %add3A_21 = arith.addf %dot_general3A_16, %add3A_20 : vector<1000x128xf32>
    %max3A = arith.constant 0.000000e+00 : f32
    %max3A_22 = vector.broadcast %max3A : f32 to vector<1000x128xf32>
    %max3A_23 = arith.maximumf %add3A_21, %max3A_22 : vector<1000x128xf32>
    %get3A_24 = arith.constant 0 : index
    %get3A_25 = arith.constant 0 : index
    %get3A_26 = vector.load %arg5[%get3A_24, %get3A_25] : memref<128x128xf32, #tpu.memory_space<vmem>>, vector<128x128xf32>
    %dot_general3A_27 = arith.constant dense<0.000000e+00> : vector<1000x128xf32>
    %dot_general3A_28 = tpu.matmul %max3A_23, %get3A_26, %dot_general3A_27 {dimension_numbers = #tpu.dot_dimension_numbers<[1], [0], [0], [1], [0, 0, 1, 1], [], []>, transpose_lhs_hint = false} : vector<1000x128xf32>, vector<128x128xf32>, vector<1000x128xf32> -> vector<1000x128xf32>
    %get3A_29 = arith.constant 0 : index
    %get3A_30 = arith.constant 0 : index
    %get3A_31 = vector.load %arg6[%get3A_29, %get3A_30] : memref<1x128xf32, #tpu.memory_space<vmem>>, vector<1x128xf32>
    %add3A_32 = vector.broadcast %get3A_31 : vector<1x128xf32> to vector<1000x128xf32>
    %add3A_33 = arith.addf %dot_general3A_28, %add3A_32 : vector<1000x128xf32>
    %reduce_max3A = arith.constant dense<0xFF800000> : vector<1000xf32>
    %reduce_max3A_34 = vector.multi_reduction <maximumf>, %add3A_33, %reduce_max3A [1] : vector<1000x128xf32> to vector<1000xf32>
    %broadcast_in_dim3A = vector.shape_cast %reduce_max3A_34 : vector<1000xf32> to vector<1000x1xf32>
    %sub3A = vector.broadcast %broadcast_in_dim3A : vector<1000x1xf32> to vector<1000x128xf32>
    %sub3A_35 = arith.subf %add3A_33, %sub3A : vector<1000x128xf32>
    %exp3A = math.exp %sub3A_35 : vector<1000x128xf32>
    %reduce_sum3A = arith.constant dense<0.000000e+00> : vector<1000xf32>
    %reduce_sum3A_36 = vector.multi_reduction <add>, %exp3A, %reduce_sum3A [1] : vector<1000x128xf32> to vector<1000xf32>
    %broadcast_in_dim3A_37 = vector.shape_cast %reduce_sum3A_36 : vector<1000xf32> to vector<1000x1xf32>
    %log3A = math.log %broadcast_in_dim3A_37 : vector<1000x1xf32>
    %sub3A_38 = vector.broadcast %log3A : vector<1000x1xf32> to vector<1000x128xf32>
    %sub3A_39 = arith.subf %sub3A_35, %sub3A_38 : vector<1000x128xf32>
    %swap3A = arith.constant 0 : index
    %swap3A_40 = arith.constant 0 : index
    %swap3A_41 = vector.load %arg7[%swap3A, %swap3A_40] : memref<1000x128xf32, #tpu.memory_space<vmem>>, vector<1000x128xf32>
    tpu.vector_store %arg7[%swap3A, %swap3A_40], %sub3A_39 {strides = array<i32>} : memref<1000x128xf32, #tpu.memory_space<vmem>>, vector<1000x128xf32>,
    return
  }
  func.func @transform_0(%arg0: i32) -> (i32, i32) {
    %c0_i32 = arith.constant 0 : i32
    %c0_i32_0 = arith.constant 0 : i32
    return %arg0, %c0_i32 : i32, i32
  }
  func.func @transform_1(%arg0: i32) -> (i32, i32, i32) {
    %c0_i32 = arith.constant 0 : i32
    %c0_i32_0 = arith.constant 0 : i32
    %c0_i32_1 = arith.constant 0 : i32
    return %c0_i32, %arg0, %c0_i32_0 : i32, i32, i32
  }
  func.func @transform_2(%arg0: i32) -> (i32, i32) {
    %c0_i32 = arith.constant 0 : i32
    %c0_i32_0 = arith.constant 0 : i32
    %c0_i32_1 = arith.constant 0 : i32
    return %c0_i32, %c0_i32_0 : i32, i32
  }
  func.func @transform_3(%arg0: i32) -> (i32, i32) {
    %c0_i32 = arith.constant 0 : i32
    %c0_i32_0 = arith.constant 0 : i32
    %c0_i32_1 = arith.constant 0 : i32
    return %c0_i32, %c0_i32_0 : i32, i32
  }
  func.func @transform_4(%arg0: i32) -> (i32, i32) {
    %c0_i32 = arith.constant 0 : i32
    %c0_i32_0 = arith.constant 0 : i32
    %c0_i32_1 = arith.constant 0 : i32
    return %c0_i32, %c0_i32_0 : i32, i32
  }
  func.func @transform_5(%arg0: i32) -> (i32, i32) {
    %c0_i32 = arith.constant 0 : i32
    %c0_i32_0 = arith.constant 0 : i32
    %c0_i32_1 = arith.constant 0 : i32
    return %c0_i32, %c0_i32_0 : i32, i32
  }
  func.func @transform_6(%arg0: i32) -> (i32, i32) {
    %c0_i32 = arith.constant 0 : i32
    %c0_i32_0 = arith.constant 0 : i32
    return %arg0, %c0_i32 : i32, i32
  }
}

module attributes {stable_mosaic.version = 14 : i64} {
  func.func @_mlp1_body(%arg0: i32, %arg1: memref<1000x128xf32, #tpu.memory_space<vmem>>, %arg2: memref<2x1000x128xf32, #tpu.memory_space<vmem>>, %arg3: memref<128x128xf32, #tpu.memory_space<vmem>>, %arg4: memref<1x128xf32, #tpu.memory_space<vmem>>, %arg5: memref<128x128xf32, #tpu.memory_space<vmem>>, %arg6: memref<1x128xf32, #tpu.memory_space<vmem>>, %arg7: memref<1000x128xf32, #tpu.memory_space<vmem>>) attributes {dimension_semantics = [#tpu.dimension_semantics<arbitrary>], iteration_bounds = array<i64: 10>, scalar_prefetch = 0 : i64, scratch_operands = 0 : i64, tpu.core_type = #tpu.core_type<tc>, window_params = [{transform_indices = @transform_0, window_bounds = array<i64: 1000, 128>}, {transform_indices = @transform_1, window_bounds = array<i64: 2, 1000, 128>}, {pipeline_mode = #tpu.pipeline_mode<synchronous>, transform_indices = @transform_2, window_bounds = array<i64: 128, 128>}, {pipeline_mode = #tpu.pipeline_mode<synchronous>, transform_indices = @transform_3, window_bounds = array<i64: 1, 128>}, {pipeline_mode = #tpu.pipeline_mode<synchronous>, transform_indices = @transform_4, window_bounds = array<i64: 128, 128>}, {pipeline_mode = #tpu.pipeline_mode<synchronous>, transform_indices = @transform_5, window_bounds = array<i64: 1, 128>}, {transform_indices = @transform_6, window_bounds = array<i64: 1000, 128>}]} {
    %get3A = arith.constant 0 : index
    %get3A_0 = arith.constant 0 : index
    %get3A_1 = vector.load %arg1[%get3A, %get3A_0] : memref<1000x128xf32, #tpu.memory_space<vmem>>, vector<1000x128xf32>
    %get3A_2 = arith.constant 0 : index
    %get3A_3 = arith.constant 0 : index
    %get3A_4 = arith.constant 0 : index
    %get3A_5 = vector.load %arg2[%get3A_2, %get3A_3, %get3A_4] : memref<2x1000x128xf32, #tpu.memory_space<vmem>>, vector<1x1000x128xf32>
    %get3A_6 = vector.shape_cast %get3A_5 : vector<1x1000x128xf32> to vector<1000x128xf32>
    %add3A = arith.addf %get3A_1, %get3A_6 : vector<1000x128xf32>
    %get3A_7 = arith.constant 1 : index
    %get3A_8 = arith.constant 0 : index
    %get3A_9 = arith.constant 0 : index
    %get3A_10 = vector.load %arg2[%get3A_7, %get3A_8, %get3A_9] : memref<2x1000x128xf32, #tpu.memory_space<vmem>>, vector<1x1000x128xf32>
    %get3A_11 = vector.shape_cast %get3A_10 : vector<1x1000x128xf32> to vector<1000x128xf32>
    %add3A_12 = arith.addf %add3A, %get3A_11 : vector<1000x128xf32>
    %get3A_13 = arith.constant 0 : index
    %get3A_14 = arith.constant 0 : index
    %get3A_15 = vector.load %arg3[%get3A_13, %get3A_14] : memref<128x128xf32, #tpu.memory_space<vmem>>, vector<128x128xf32>
    %dot_general3A = arith.constant dense<0.000000e+00> : vector<1000x128xf32>
    %dot_general3A_16 = tpu.matmul %add3A_12, %get3A_15, %dot_general3A {dimension_numbers = #tpu.dot_dimension_numbers<[1], [0], [0], [1], [0, 0, 1, 1], [], []>, transpose_lhs_hint = false} : vector<1000x128xf32>, vector<128x128xf32>, vector<1000x128xf32> -> vector<1000x128xf32>
    %get3A_17 = arith.constant 0 : index
    %get3A_18 = arith.constant 0 : index
    %get3A_19 = vector.load %arg4[%get3A_17, %get3A_18] : memref<1x128xf32, #tpu.memory_space<vmem>>, vector<1x128xf32>
    %add3A_20 = vector.broadcast %get3A_19 : vector<1x128xf32> to vector<1000x128xf32>
    %add3A_21 = arith.addf %dot_general3A_16, %add3A_20 : vector<1000x128xf32>
    %max3A = arith.constant 0.000000e+00 : f32
    %max3A_22 = vector.broadcast %max3A : f32 to vector<1000x128xf32>
    %max3A_23 = arith.maximumf %add3A_21, %max3A_22 : vector<1000x128xf32>
    %get3A_24 = arith.constant 0 : index
    %get3A_25 = arith.constant 0 : index
    %get3A_26 = vector.load %arg5[%get3A_24, %get3A_25] : memref<128x128xf32, #tpu.memory_space<vmem>>, vector<128x128xf32>
    %dot_general3A_27 = arith.constant dense<0.000000e+00> : vector<1000x128xf32>
    %dot_general3A_28 = tpu.matmul %max3A_23, %get3A_26, %dot_general3A_27 {dimension_numbers = #tpu.dot_dimension_numbers<[1], [0], [0], [1], [0, 0, 1, 1], [], []>, transpose_lhs_hint = false} : vector<1000x128xf32>, vector<128x128xf32>, vector<1000x128xf32> -> vector<1000x128xf32>
    %get3A_29 = arith.constant 0 : index
    %get3A_30 = arith.constant 0 : index
    %get3A_31 = vector.load %arg6[%get3A_29, %get3A_30] : memref<1x128xf32, #tpu.memory_space<vmem>>, vector<1x128xf32>
    %add3A_32 = vector.broadcast %get3A_31 : vector<1x128xf32> to vector<1000x128xf32>
    %add3A_33 = arith.addf %dot_general3A_28, %add3A_32 : vector<1000x128xf32>
    %max3A_34 = arith.constant 0.000000e+00 : f32
    %max3A_35 = vector.broadcast %max3A_34 : f32 to vector<1000x128xf32>
    %max3A_36 = arith.maximumf %add3A_33, %max3A_35 : vector<1000x128xf32>
    %swap3A = arith.constant 0 : index
    %swap3A_37 = arith.constant 0 : index
    %swap3A_38 = vector.load %arg7[%swap3A, %swap3A_37] : memref<1000x128xf32, #tpu.memory_space<vmem>>, vector<1000x128xf32>
    tpu.vector_store %arg7[%swap3A, %swap3A_37], %max3A_36 {strides = array<i32>} : memref<1000x128xf32, #tpu.memory_space<vmem>>, vector<1000x128xf32>,
    return
  }
  func.func @transform_0(%arg0: i32) -> (i32, i32) {
    %c0_i32 = arith.constant 0 : i32
    %c0_i32_0 = arith.constant 0 : i32
    return %arg0, %c0_i32 : i32, i32
  }
  func.func @transform_1(%arg0: i32) -> (i32, i32, i32) {
    %c0_i32 = arith.constant 0 : i32
    %c0_i32_0 = arith.constant 0 : i32
    %c0_i32_1 = arith.constant 0 : i32
    return %c0_i32, %arg0, %c0_i32_0 : i32, i32, i32
  }
  func.func @transform_2(%arg0: i32) -> (i32, i32) {
    %c0_i32 = arith.constant 0 : i32
    %c0_i32_0 = arith.constant 0 : i32
    %c0_i32_1 = arith.constant 0 : i32
    return %c0_i32, %c0_i32_0 : i32, i32
  }
  func.func @transform_3(%arg0: i32) -> (i32, i32) {
    %c0_i32 = arith.constant 0 : i32
    %c0_i32_0 = arith.constant 0 : i32
    %c0_i32_1 = arith.constant 0 : i32
    return %c0_i32, %c0_i32_0 : i32, i32
  }
  func.func @transform_4(%arg0: i32) -> (i32, i32) {
    %c0_i32 = arith.constant 0 : i32
    %c0_i32_0 = arith.constant 0 : i32
    %c0_i32_1 = arith.constant 0 : i32
    return %c0_i32, %c0_i32_0 : i32, i32
  }
  func.func @transform_5(%arg0: i32) -> (i32, i32) {
    %c0_i32 = arith.constant 0 : i32
    %c0_i32_0 = arith.constant 0 : i32
    %c0_i32_1 = arith.constant 0 : i32
    return %c0_i32, %c0_i32_0 : i32, i32
  }
  func.func @transform_6(%arg0: i32) -> (i32, i32) {
    %c0_i32 = arith.constant 0 : i32
    %c0_i32_0 = arith.constant 0 : i32
    return %arg0, %c0_i32 : i32, i32
  }
}

</mosaic_0001>

<sc_bundles>
// kernel: kernel.6.cloned.1.call-start
scs
__scs_entry_jumppad:
0x0: {  	(pc) =	sbr.rel $0x88, $3  }
0x1: {  	(tag) =	ssettag $0x0;
	lr =	simm.s32 $0x1  }
0x2: {  	[smem:$0x3F91] =	sst lr;
	_ =	strace $0xD0000000  }
0x3: {  	_ = 	snop  }
0x4: {  	_ = 	snop  }
0x5: {  	_ = 	snop  }
0x6: {  	_ = 	snop  }
0x7: {  	_ = 	snop  }
__scs_overlays_trampoline_lowered:
0x8: {  	[smem:$0x3FA0] =	sst s0  }
0x9: {  	[smem:$0x3FA1] =	sst s1  }
0xa: {  	[smem:$0x3FA2] =	sst s2  }
0xb: {  	[smem:$0x3FA3] =	sst s3  }
0xc: {  	[smem:$0x3FA4] =	sst s4  }
0xd: {  	[smem:$0x3FA5] =	sst s5  }
0xe: {  	[smem:$0x3FA6] =	sst s6  }
0xf: {  	[smem:$0x3FA7] =	sst s7  }
0x10: {  	[smem:$0x3FA8] =	sst s8  }
0x11: {  	[smem:$0x3FA9] =	sst s9;
	s0 =	simm.s32 @!p0 $0x0  }
0x12: {  	s1 =	sld [smem:$0x3F8F];
	s0 =	simm.s32 @p0 $0x1  }
0x13: {  	[smem:$0x3FAA] =	sst s0;
	s0 =	simm.s32 @!p1 $0x0  }
0x14: {  	s2 =	sld [smem:$0x3F8E];
	s0 =	simm.s32 @p1 $0x1  }
0x15: {  	[smem:$0x3FAB] =	sst s0;
	s0 =	simm.s32 @!p2 $0x0  }
0x16: {  	s3 =	sld [smem:$0x3FDB];
	s0 =	simm.s32 @p2 $0x1  }
0x17: {  	s4 =	simm.s32 $0x1BF5;
	[smem:$0x3FAD] =	sst s0  }
0x18: {  	s0 =	sld [smem:$0x3F90];
	_ =	swait.ge [sflag:s4], $0x0  }
0x19: {  	s7 =	sld [smem:$0x3F91]  }
0x1a: {  	s8 =	sadd.s32 $0xFFFFE003, lr  }
0x1b: {  	s9 =	sadd.s32 $0xFFFFFEF7, lr;
	s5 =	simm.s32 $0xFFFFFFFF;
	p2 =	slt.u32 s8, $0xFFFFF086  }
0x1c: {  	p1 =	slt.u32 s9, $0xF7A;
	s5 =	simm.s32 @!p2 $0x0  }
0x1d: {  	s5 =	simm.s32 @p1 $0x1;
	p0 =	seq.s32 s7, s2  }
0x1e: {  	s7 =	smul.u32 @!p0 $0xF7A, s2;
	p2 =	seq.s32 @!p0 s5, $0x0  }
0x1f: {  	s9 =	smul.u32 $0xF7A, s1;
	s8 =	simm.s32 @!p0 $0x1BF5;
	p2 =	por !p2, p0  }
0x20: {  	[sflag:s8] =	ssyncset.s32 @!p0 $0xFFFFF086;
	s6 =	sadd.s32 @!p0 s3, s7;
	s7 =	simm.s32 @!p0 $0x108  }
0x21: {  	s3 =	sadd.s32 s3, s9;
	s6 =	sadd.s32 @!p0 $0x88, s6;
	s7 =	simm.s32 @p2 $0x1082  }
0x22: {  	[simem:s7], [sflag:s8] =	dma.local @!p0 [hbm:s6], $0xF7A  }
0x23: {  	s9 =	sor.u32 $0xD0000000, s2;
	s6 =	simm.s32 $0x108;
	_ =	swait.ge @!p0 [sflag:s8], $0x0  }
0x24: {  	s3 =	sadd.s32 $0x88, s3;
	s6 =	simm.s32 @!p1 $0x1082;
	[sflag:s4] =	ssyncset.s32 $0xFFFFF086  }
0x25: {  	[simem:s6], [sflag:s4] =	dma.local [hbm:s3], $0xF7A  }
0x26: {  	[smem:$0x3F91] =	sst s1;
	(tag) =	ssettag s2;
	_ =	strace s9  }
0x27: {  	s1 =	sld [smem:$0x3FA1]  }
0x28: {  	s2 =	sld [smem:$0x3FA2]  }
0x29: {  	s4 =	sld [smem:$0x3FA4]  }
0x2a: {  	p0 =	seq.s32 s5, $0x0;
	s5 =	sld [smem:$0x3FA5]  }
0x2b: {  	s6 =	sld [smem:$0x3FA6]  }
0x2c: {  	s7 =	sld [smem:$0x3FA7]  }
0x2d: {  	s3 =	simm.s32 $0x108;
	s8 =	sld [smem:$0x3FA8]  }
0x2e: {  	s3 =	simm.s32 @!p0 $0x1082;
	s9 =	sld [smem:$0x3FA9]  }
0x2f: {  	lr =	sadd.s32 s0, s3;
	s0 =	sld [smem:$0x3FA0]  }
0x30: {  	s3 =	sld [smem:$0x3FA3]  }
0x31: {  	[smem:$0x3FAC] =	sst s10  }
0x32: {  	s10 =	sld [smem:$0x3FAA];
	_ =	sdelay $0x3  }
0x33: {  	p0 =	seq.s32 s10, $0x1;
	s10 =	sld [smem:$0x3FAC];
	_ =	sdelay $0x3  }
0x34: {  	[smem:$0x3FAC] =	sst s10  }
0x35: {  	s10 =	sld [smem:$0x3FAB];
	_ =	sdelay $0x3  }
0x36: {  	p1 =	seq.s32 s10, $0x1;
	s10 =	sld [smem:$0x3FAC];
	_ =	sdelay $0x3  }
0x37: {  	[smem:$0x3FAC] =	sst s10  }
0x38: {  	s10 =	sld [smem:$0x3FAD]  }
0x39: {  	_ = 	snop;
	(pc) =	sbr.ind lr, $3  }
0x3a: {  	_ = 	snop  }
0x3b: {  	_ = 	snop  }
0x3c: {  	p2 =	seq.s32 s10, $0x1;
	s10 =	sld [smem:$0x3FAC]  }
0x3d: {  	_ =	shalt  }
0x3e: {  	_ =	shalt  }
0x3f: {  	_ =	shalt  }
0x40: {  	_ =	shalt  }
0x41: {  	_ =	shalt  }
0x42: {  	_ =	shalt  }
0x43: {  	_ =	shalt  }
0x44: {  	_ =	shalt  }
0x45: {  	_ =	shalt  }
0x46: {  	_ =	shalt  }
0x47: {  	_ =	shalt  }
0x48: {  	_ =	shalt  }
0x49: {  	_ =	shalt  }
0x4a: {  	_ =	shalt  }
0x4b: {  	_ =	shalt  }
0x4c: {  	_ =	shalt  }
0x4d: {  	_ =	shalt  }
0x4e: {  	_ =	shalt  }
0x4f: {  	_ =	shalt  }
0x50: {  	_ =	shalt  }
0x51: {  	_ =	shalt  }
0x52: {  	_ =	shalt  }
0x53: {  	_ =	shalt  }
0x54: {  	_ =	shalt  }
0x55: {  	_ =	shalt  }
0x56: {  	_ =	shalt  }
0x57: {  	_ =	shalt  }
0x58: {  	_ =	shalt  }
0x59: {  	_ =	shalt  }
0x5a: {  	_ =	shalt  }
0x5b: {  	_ =	shalt  }
0x5c: {  	_ =	shalt  }
0x5d: {  	_ =	shalt  }
0x5e: {  	_ =	shalt  }
0x5f: {  	_ =	shalt  }
0x60: {  	_ =	shalt  }
0x61: {  	_ =	shalt  }
0x62: {  	_ =	shalt  }
0x63: {  	_ =	shalt  }
0x64: {  	_ =	shalt  }
0x65: {  	_ =	shalt  }
0x66: {  	_ =	shalt  }
0x67: {  	_ =	shalt  }
0x68: {  	_ =	shalt  }
0x69: {  	_ =	shalt  }
0x6a: {  	_ =	shalt  }
0x6b: {  	_ =	shalt  }
0x6c: {  	_ =	shalt  }
0x6d: {  	_ =	shalt  }
0x6e: {  	_ =	shalt  }
0x6f: {  	_ =	shalt  }
0x70: {  	_ =	shalt  }
0x71: {  	_ =	shalt  }
0x72: {  	_ =	shalt  }
0x73: {  	_ =	shalt  }
0x74: {  	_ =	shalt  }
0x75: {  	_ =	shalt  }
0x76: {  	_ =	shalt  }
0x77: {  	_ =	shalt  }
0x78: {  	_ =	shalt  }
0x79: {  	_ =	shalt  }
0x7a: {  	_ =	shalt  }
0x7b: {  	_ =	shalt  }
0x7c: {  	_ =	shalt  }
0x7d: {  	_ =	shalt  }
0x7e: {  	_ =	shalt  }
0x7f: {  	_ =	shalt  }
0x80: {  	_ =	shalt  }
0x81: {  	_ =	shalt  }
0x82: {  	_ =	shalt  }
0x83: {  	_ =	shalt  }
0x84: {  	_ =	shalt  }
0x85: {  	_ =	shalt  }
0x86: {  	_ =	shalt  }
0x87: {  	_ =	shalt  }
.Lfunc_end0:
.L_simem_size_0:
called_computation_lowered:
.L_overlay_start_0:
0x88: {  	s2 =	sld [smem:$0x3FD9]  }
0x89: {  	s3 =	sld [smem:$0x3FFE];
	_ =	sdelay $0x1  }
0x8a: {  	s1 =	srdreg.scid  }
0x8b: {  	s0 =	sand.u32 $0x1, s1  }
0x8c: {  	s17 =	sshll.u32 s0, $0xA;
	s2 =	sadd.s32 s3, s2  }
0x8d: {  	s2 =	sadd.s32 s2, s17  }
0x8e: {  	[smem:$0x3FB8] =	sst s2  }
0x8f: {  	_ = 	snop  }
0x90: {  	s2 =	sld [smem:$0x3FC9];
	(tm) =	ssettm $0x1  }
0x91: {  	s18 =	sld [smem:$0x3FFB];
	_ =	sdelay $0x3  }
0x92: {  	_ =	strace s18  }
0x93: {  	s3 =	sld [smem:$0x3FFC];
	_ =	sdelay $0x3  }
0x94: {  	_ =	strace s3  }
0x95: {  	s3 =	sld [smem:$0x3FFD];
	_ =	sdelay $0x3  }
0x96: {  	_ =	strace s3  }
0x97: {  	_ =	strace $0x8FFFFFFF  }
0x98: {  	s19 =	sld [smem:$0x3FDB];
	_ =	sdelay $0x1  }
0x99: {  	s4 =	simm.s32 $_scs_section_size  }
0x9a: {  	s5 =	simm.s32 $_size__tile_overlayer_lowered;
	s6 =	simm.s32 $_tile_overlayer_lowered  }
0x9b: {  	s22 =	simm.s32 $0x1BFF;
	s21 =	sshll.u32 s6, $0x1;
	s3 =	sadd.s32 s4, s19  }
0x9c: {  	s7 =	simm.s32 $0x0;
	s20 =	sshll.u32 s5, $0x1;
	s5 =	sadd.s32 s21, s3  }
0x9d: {  	[timem:s7], [sflag:s22] =	dma.local [hbm:s5], s20  }
0x9e: {  	_ =	swait.ge [sflag:s22], s20  }
0x9f: {  	s4 =	ssub.s32 $0x0, s20;
	[sflag:s22] =	ssyncset.done $0x0  }
0xa0: {  	[sflag:s22] =	ssyncadd.s32 s4;
	_ =	sdelay $0x1  }
0xa1: {  	s23 =	simm.s32 $0x1B8B  }
0xa2: {  	_ =	swait.ge [sflag:s23], $0x1  }
0xa3: {  	[sflag:s23] =	ssyncset.done $0x0  }
0xa4: {  	s25 =	simm.s32 $0x1B8E;
	s24 =	sld [smem:$0x3FFE];
	[sflag:s23] =	ssyncadd.s32 $0xFFFFFFFF  }
0xa5: {  	s26 =	simm.s32 $execute0_lowered;
	[smem:$0x3FD2] =	sst s25  }
0xa6: {  	s5 =	sshll.u32 s26, $0x1;
	_ =	strace $0x80000046;
	[dreg:$0x1] =	wrdreg $0xFFFFFFFF  }
0xa7: {  	s28 =	simm.s32 $_size_execute0_lowered;
	s3 =	sadd.s32 s3, s5;
	[dreg:$0x0] =	wrdreg $0x0  }
0xa8: {  	s5 =	sshll.u32 s28, $0x1;
	[dreg:$0x2] =	wrdreg s3  }
0xa9: {  	[dreg:$0x3] =	wrdreg s5  }
0xaa: {  	[dreg:$0x4] =	wrdreg $0xC0  }
0xab: {  	_ =	task [dreg:s7], $0x5FFFF  }
0xac: {  	[dreg:$0x1] =	wrdreg $0xFFFFFFFF  }
0xad: {  	[dreg:$0x0] =	wrdreg $0x60  }
0xae: {  	[dreg:$0x2] =	wrdreg s2  }
0xaf: {  	[dreg:$0x3] =	wrdreg s24  }
0xb0: {  	[dreg:$0x4] =	wrdreg $0xA0000  }
0xb1: {  	[dreg:$0x5] =	wrdreg $0x9  }
0xb2: {  	_ =	task.clear_ibuf [dreg:s7], $0x6FFFF;
	_ =	strace $0x90000046  }
0xb3: {  	s29 =	simm.s32 $0x9;
	_ =	strace $0x80000048  }
0xb4: {  	_ =	swait.ge [sflag:s29], $0x1  }
0xb5: {  	[sflag:s29] =	ssyncadd.s32 $0xFFFFFFFF  }
0xb6: {  	_ =	strace $0x90000048  }
0xb7: {  	_ =	sfence  }
0xb8: {  	s30 =	sld [smem:$0x0];
	_ =	sdelay $0x2  }
0xb9: {  	s31 =	sshll.u32 s1, $0xD;
	s1 =	sshrl.u32 s1, $0x2  }
0xba: {  	s3 =	sand.u32 $0x4000, s31;
	s1 =	sadd.s32 s1, s30  }
0xbb: {  	s0 =	sor.u32 s3, s0;
	s1 =	sshll.u32 s1, $0x11  }
0xbc: {  	s0 =	sor.u32 s1, s0  }
0xbd: {  	s0 =	sadd.s32 $0x8F2B, s0  }
0xbe: {  	[sflag:s0] =	ssyncadd.remote.s32 $0x1  }
0xbf: {  	_ =	sfence.sel $0xFFFF  }
0xc0: {  	[dreg:$0x0] =	wrdreg $0xFFFFFFFF;
	(pc) =	sbr.abs _section_cstart, $3  }
0xc1: {  	[dreg:$0x1] =	wrdreg $0xFFFFFFFF  }
0xc2: {  	_ =	task.clear_ibuf [dreg:s7], $0x2FFFF;
	_ =	strace $0x9FFFFFFF  }
0xc3: {  	(tm) =	ssettm $0x7FFFFFFF  }
tec
execute0_lowered:
.L_overlay_start_1:
0x0: {  	(tag) =	ssettag $0x1  }
0x1: {  	s1 =	rddreg [dreg:$0x0]  }
0x2: {  	s6 =	rddreg [dreg:$0x1]  }
0x3: {  	s3 =	rddreg [dreg:$0x2]  }
0x4: {  	s0 =	rddreg [dreg:$0x3];
	s4 =	simm.s32 $0x0  }
0x5: {  	s2 =	stileid.u32;
	s7 =	srdreg.scid;
	s17 =	simm.s32 $0x6000  }
0x6: {  	s18 =	simm.s32 $0x1;
	s22 =	simm.s32 $0x0;
	s5 =	smul.u32 $0x600, s2  }
0x7: {  	[smem:$0x7FF] =	sst s4;
	s14 =	sand.u32 $0x1, s7;
	s30 =	smul.u32 $0x4F000, s2  }
0x8: {  	s28 =	sshll.u32 s2, $0xA;
	s31 =	sshll.u32 s2, $0x6;
	s16 =	smul.u32 $0x4E000, s2  }
0x9: {  	s19 =	smul.u32 $0x2700, s2;
	s21 =	sadd.s32 $0x138000, s3;
	p1 =	sne.s32 s2, $0xF  }
0xa: {  	_ =	strace $0x80000047;
	s7 =	smul.u32 $0x27100, s14;
	s9 =	sadd.s32 s28, s6  }
0xb: {  	s8 =	ssub.s32 $0x2, s14;
	p0 =	seq.s32 s14, $0x0;
	s21 =	sshrl.u32 @!p1 s21, $0x3  }
0xc: {  	s11 =	sadd.s32 s5, s6;
	s5 =	sadd.s32 $0x16E00, s6;
	s29 =	sshrl.u32 s8, $0x1  }
0xd: {  	s16 =	sshrl.u32 s16, $0x2;
	s12 =	sadd.s32 s7, s6;
	s13 =	ssub.s32 s8, s29  }
0xe: {  	s6 =	simm.s32 $0x5F;
	s7 =	sshrl.u32 s30, $0x2;
	s8 =	sadd.s32 $0xEE00, s9  }
0xf: {  	s9 =	sadd.s32 $0x12E00, s9;
	s10 =	sadd.s32 $0x8E00, s11;
	s11 =	sadd.s32 $0x2E00, s11  }
0x10: {  	s20 =	sadd.s32 s16, s3;
	s16 =	simm.s32 $0x80;
	s6 =	simm.s32 @!p0 $0x3E  }
0x11: {  	s15 =	sadd.s32 s7, s3;
	s7 =	sor.u32 $0x1C02, s31;
	s12 =	sadd.s32 $0x19600, s12  }
0x12: {  	s13 =	smax.u32 s13, $0x1;
	p0 =	sne.s32 s14, $0x0;
	s20 =	sshrl.u32 s20, $0x3  }
0x13: {  	s14 =	sshrl.u32 s15, $0x3;
	s15 =	simm.s32 $0x2;
	s19 =	sadd.s32 s19, s12  }
.LBB2_1:
0x14: {  	[spmem:s14], [sflag:s7] =	dma.local [hbm:s5], $0x2780  }
0x15: {  	_ =	swait.ge [sflag:s15], $0x2780  }
0x16: {  	[sflag:s15] =	ssyncset.done $0x0  }
0x17: {  	s23 =	simm.s32 @p0 $0x0;
	s24 =	simm.s32 @p0 $0x2;
	[sflag:s15] =	ssyncadd.s32 $0xFFFFD880  }
0x18: {  	[tilespmem:s23], [sflag:$0x2] =	stream.linear.gather @p0 [hbm4b:s8+s23], $0x1F00, $0x38;
	[tilespmem:$0x1DC00] =	vst v63  }
0x19: {  	_ =	swait.ge @p0 [sflag:s24], $0x1F00  }
0x1a: {  	[sflag:s24] =	ssyncset.done @p0 $0x0  }
0x1b: {  	s25 =	simm.s32 @p0 $0x3000;
	[sflag:s24] =	ssyncadd.s32 @p0 $0xFFFFE100  }
0x1c: {  	[tilespmem:s25], [sflag:$0x2] =	stream.linear.gather @p0 [hbm4b:s9+s23], $0x1F00, $0x38;
	[tilespmem:$0x1DC00] =	vst v63  }
0x1d: {  	_ =	swait.ge @p0 [sflag:s24], $0x1F00  }
0x1e: {  	[sflag:s24] =	ssyncset.done @p0 $0x0  }
0x1f: {  	s23 =	simm.s32 @!p0 $0x0;
	[sflag:s24] =	ssyncadd.s32 @p0 $0xFFFFE100;
	s24 =	simm.s32 @!p0 $0x2  }
0x20: {  	[tilespmem:s23], [sflag:$0x2] =	stream.linear.gather @!p0 [hbm4b:s10+s23], $0x2F80, $0x38;
	[tilespmem:$0x1DC00] =	vst v63  }
0x21: {  	_ =	swait.ge @!p0 [sflag:s24], $0x2F80  }
0x22: {  	[sflag:s24] =	ssyncset.done @!p0 $0x0  }
0x23: {  	s25 =	simm.s32 @!p0 $0x3000;
	[sflag:s24] =	ssyncadd.s32 @!p0 $0xFFFFD080  }
0x24: {  	[tilespmem:s25], [sflag:$0x2] =	stream.linear.gather @!p0 [hbm4b:s11+s23], $0x2F80, $0x38;
	[tilespmem:$0x1DC00] =	vst v63  }
0x25: {  	_ =	swait.ge @!p0 [sflag:s24], $0x2F80  }
0x26: {  	[sflag:s24] =	ssyncset.done @!p0 $0x0  }
0x27: {  	[sflag:s24] =	ssyncadd.s32 @!p0 $0xFFFFD080  }
0x28: {  	[bflag:$0x0] =	sbarrier.arrive $0xFFFF  }
0x29: {  	[tilespmem:s17], [sflag:$0x1] =	stream.indirect.gather [hbm4b:s1+s16], $0x80, s4, s16, $0xb8;
	[tilespmem:$0x1DC00] =	vst v63  }
0x2a: {  	p2 =	sne.s32 s6, $0x1;
	_ =	swait.ge [sflag:s18], $0x4000  }
.Ltmp0:
0x2b: {  	[sflag:s18] =	ssyncset.done $0x0;
	(pc) =	sbr.rel @!p2 .LBB2_3-.Ltmp0, $4  }
0x2c: {  	s23 =	simm.s32 $0x3000;
	[sflag:s18] =	ssyncadd.s32 $0xFFFFC000  }
0x2d: {  	[spmem:s3] =	stream.indirect.scatter.add.f32 [tilespmem:s17], [sflag:$0x2], $0x80, s23, s16, $0xb8;
	[tilespmem:$0x1DC00] =	vst v63  }
0x2e: {  	_ =	swait.ge [sflag:s15], $0x4000  }
0x2f: {  	s25 =	simm.s32 $0x0;
	s24 =	sadd.s32 $0xFFFFFFFF, s6;
	[sflag:s15] =	ssyncset.done $0x0  }
.LBB2_2:
0x30: {  	[sflag:s15] =	ssyncadd.s32 $0xFFFFC000;
	s25 =	sadd.s32 $0x80, s25;
	s23 =	sadd.s32 $0x80, s23  }
0x31: {  	[tilespmem:s17], [sflag:$0x1] =	stream.indirect.gather [hbm4b:s1+s16], $0x80, s25, s16, $0xb8;
	[tilespmem:$0x1DC00] =	vst v63  }
0x32: {  	p2 =	sne.s32 s24, $0x1;
	s24 =	sadd.s32 $0xFFFFFFFF, s24;
	_ =	swait.ge [sflag:s18], $0x4000  }
.Ltmp1:
0x33: {  	[sflag:s18] =	ssyncset.done $0x0;
	(pc) =	sbr.rel @p2 .LBB2_2-.Ltmp1, $4  }
0x34: {  	[sflag:s18] =	ssyncadd.s32 $0xFFFFC000  }
0x35: {  	[spmem:s3] =	stream.indirect.scatter.add.f32 [tilespmem:s17], [sflag:$0x2], $0x80, s23, s16, $0xb8;
	[tilespmem:$0x1DC00] =	vst v63  }
0x36: {  	_ =	swait.ge [sflag:s15], $0x4000  }
0x37: {  	[sflag:s15] =	ssyncset.done $0x0  }
.LBB2_3:
0x38: {  	[sflag:s15] =	ssyncadd.s32 $0xFFFFC000  }
0x39: {  	[bflag:$0x0] =	sbarrier.arrive $0xFFFF  }
0x3a: {  	[hbm:s19], [sflag:s7] =	dma.local [spmem:s20], $0x2700  }
0x3b: {  	_ =	swait.ge [sflag:s15], $0x2700  }
0x3c: {  	s22 =	sadd.s32 $0x1, s22;
	[sflag:s15] =	ssyncset.done $0x0  }
0x3d: {  	s23 =	sadd.s32 @!p1 $0x27000, s12;
	p2 =	sne.s32 s22, s13;
	[sflag:s15] =	ssyncadd.s32 $0xFFFFD900  }
0x3e: {  	[hbm:s23], [sflag:s7] =	dma.local @!p1 [spmem:s21], $0x100  }
.Ltmp2:
0x3f: {  	_ = 	snop;
	(pc) =	sbr.rel @p2 .LBB2_1-.Ltmp2, $4  }
0x40: {  	s23 =	simm.s32 @!p1 $0x2  }
0x41: {  	_ =	swait.ge @!p1 [sflag:s23], $0x100  }
0x42: {  	[sflag:s23] =	ssyncset.done @!p1 $0x0  }
0x43: {  	[sflag:s23] =	ssyncadd.s32 @!p1 $0xFFFFFF00  }
0x44: {  	_ =	sfence.sel $0x180000  }
0x45: {  	[bflag:$0x0] =	sbarrier.arrive $0xFFFF  }
0x46: {  	p0 =	sne.s32 s2, $0x0;
	_ =	strace $0x90000047  }
0x47: {  	s0 =	sadd.s32 @!p0 $0x100000, s0;
	[bflag:$0x2] =	sbarrier.arrive $0xFFFF  }
0x48: {  	[sflag:s0] =	ssyncadd.tile.s32 @!p0 $0x1;
	_ =	shalt  }
.Lfunc_end2:
_tile_overlayer_lowered:
.L_overlay_start_2:
0x49: {  	(tag) =	ssettag $0x2  }
0x4a: {  	s0 =	rddreg [dreg:$0x0];
	s2 =	stileid.u32  }
0x4b: {  	s1 =	rddreg [dreg:$0x1];
	p0 =	sne.s32 s2, $0x0  }
0x4c: {  	s3 =	rddreg [dreg:$0x2];
	[bflag:$0x3] =	sbarrier.arrive $0xFFFF;
	s2 =	simm.s32 @!p0 $0x1C02  }
0x4d: {  	[timem:s3], [sflag:s2] =	dma.local @!p0 [hbm:s0], s1  }
0x4e: {  	s0 =	simm.s32 @!p0 $0x2  }
0x4f: {  	_ =	swait.ge @!p0 [sflag:s0], s1  }
0x50: {  	s1 =	ssub.s32 @!p0 $0x0, s1;
	[sflag:s0] =	ssyncset.done @!p0 $0x0  }
0x51: {  	[sflag:s0] =	ssyncadd.s32 @!p0 s1  }
0x52: {  	[bflag:$0x3] =	sbarrier.arrive $0xFFFF  }
0x53: {  	_ =	shalt  }

// kernel: kernel.9.cloned.1.call-start
scs
__scs_entry_jumppad:
0x0: {  	(pc) =	sbr.rel $0x88, $3  }
0x1: {  	(tag) =	ssettag $0x0;
	lr =	simm.s32 $0x1  }
0x2: {  	[smem:$0x3F91] =	sst lr;
	_ =	strace $0xD0000000  }
0x3: {  	_ = 	snop  }
0x4: {  	_ = 	snop  }
0x5: {  	_ = 	snop  }
0x6: {  	_ = 	snop  }
0x7: {  	_ = 	snop  }
__scs_overlays_trampoline_lowered:
0x8: {  	[smem:$0x3FA0] =	sst s0  }
0x9: {  	[smem:$0x3FA1] =	sst s1  }
0xa: {  	[smem:$0x3FA2] =	sst s2  }
0xb: {  	[smem:$0x3FA3] =	sst s3  }
0xc: {  	[smem:$0x3FA4] =	sst s4  }
0xd: {  	[smem:$0x3FA5] =	sst s5  }
0xe: {  	[smem:$0x3FA6] =	sst s6  }
0xf: {  	[smem:$0x3FA7] =	sst s7  }
0x10: {  	[smem:$0x3FA8] =	sst s8  }
0x11: {  	[smem:$0x3FA9] =	sst s9;
	s0 =	simm.s32 @!p0 $0x0  }
0x12: {  	s1 =	sld [smem:$0x3F8F];
	s0 =	simm.s32 @p0 $0x1  }
0x13: {  	[smem:$0x3FAA] =	sst s0;
	s0 =	simm.s32 @!p1 $0x0  }
0x14: {  	s2 =	sld [smem:$0x3F8E];
	s0 =	simm.s32 @p1 $0x1  }
0x15: {  	[smem:$0x3FAB] =	sst s0;
	s0 =	simm.s32 @!p2 $0x0  }
0x16: {  	s3 =	sld [smem:$0x3FDB];
	s0 =	simm.s32 @p2 $0x1  }
0x17: {  	s4 =	simm.s32 $0x1BF5;
	[smem:$0x3FAD] =	sst s0  }
0x18: {  	s0 =	sld [smem:$0x3F90];
	_ =	swait.ge [sflag:s4], $0x0  }
0x19: {  	s7 =	sld [smem:$0x3F91]  }
0x1a: {  	s8 =	sadd.s32 $0xFFFFE003, lr  }
0x1b: {  	s9 =	sadd.s32 $0xFFFFFEF7, lr;
	s5 =	simm.s32 $0xFFFFFFFF;
	p2 =	slt.u32 s8, $0xFFFFF086  }
0x1c: {  	p1 =	slt.u32 s9, $0xF7A;
	s5 =	simm.s32 @!p2 $0x0  }
0x1d: {  	s5 =	simm.s32 @p1 $0x1;
	p0 =	seq.s32 s7, s2  }
0x1e: {  	s7 =	smul.u32 @!p0 $0xF7A, s2;
	p2 =	seq.s32 @!p0 s5, $0x0  }
0x1f: {  	s9 =	smul.u32 $0xF7A, s1;
	s8 =	simm.s32 @!p0 $0x1BF5;
	p2 =	por !p2, p0  }
0x20: {  	[sflag:s8] =	ssyncset.s32 @!p0 $0xFFFFF086;
	s6 =	sadd.s32 @!p0 s3, s7;
	s7 =	simm.s32 @!p0 $0x108  }
0x21: {  	s3 =	sadd.s32 s3, s9;
	s6 =	sadd.s32 @!p0 $0x88, s6;
	s7 =	simm.s32 @p2 $0x1082  }
0x22: {  	[simem:s7], [sflag:s8] =	dma.local @!p0 [hbm:s6], $0xF7A  }
0x23: {  	s9 =	sor.u32 $0xD0000000, s2;
	s6 =	simm.s32 $0x108;
	_ =	swait.ge @!p0 [sflag:s8], $0x0  }
0x24: {  	s3 =	sadd.s32 $0x88, s3;
	s6 =	simm.s32 @!p1 $0x1082;
	[sflag:s4] =	ssyncset.s32 $0xFFFFF086  }
0x25: {  	[simem:s6], [sflag:s4] =	dma.local [hbm:s3], $0xF7A  }
0x26: {  	[smem:$0x3F91] =	sst s1;
	(tag) =	ssettag s2;
	_ =	strace s9  }
0x27: {  	s1 =	sld [smem:$0x3FA1]  }
0x28: {  	s2 =	sld [smem:$0x3FA2]  }
0x29: {  	s4 =	sld [smem:$0x3FA4]  }
0x2a: {  	p0 =	seq.s32 s5, $0x0;
	s5 =	sld [smem:$0x3FA5]  }
0x2b: {  	s6 =	sld [smem:$0x3FA6]  }
0x2c: {  	s7 =	sld [smem:$0x3FA7]  }
0x2d: {  	s3 =	simm.s32 $0x108;
	s8 =	sld [smem:$0x3FA8]  }
0x2e: {  	s3 =	simm.s32 @!p0 $0x1082;
	s9 =	sld [smem:$0x3FA9]  }
0x2f: {  	lr =	sadd.s32 s0, s3;
	s0 =	sld [smem:$0x3FA0]  }
0x30: {  	s3 =	sld [smem:$0x3FA3]  }
0x31: {  	[smem:$0x3FAC] =	sst s10  }
0x32: {  	s10 =	sld [smem:$0x3FAA];
	_ =	sdelay $0x3  }
0x33: {  	p0 =	seq.s32 s10, $0x1;
	s10 =	sld [smem:$0x3FAC];
	_ =	sdelay $0x3  }
0x34: {  	[smem:$0x3FAC] =	sst s10  }
0x35: {  	s10 =	sld [smem:$0x3FAB];
	_ =	sdelay $0x3  }
0x36: {  	p1 =	seq.s32 s10, $0x1;
	s10 =	sld [smem:$0x3FAC];
	_ =	sdelay $0x3  }
0x37: {  	[smem:$0x3FAC] =	sst s10  }
0x38: {  	s10 =	sld [smem:$0x3FAD]  }
0x39: {  	_ = 	snop;
	(pc) =	sbr.ind lr, $3  }
0x3a: {  	_ = 	snop  }
0x3b: {  	_ = 	snop  }
0x3c: {  	p2 =	seq.s32 s10, $0x1;
	s10 =	sld [smem:$0x3FAC]  }
0x3d: {  	_ =	shalt  }
0x3e: {  	_ =	shalt  }
0x3f: {  	_ =	shalt  }
0x40: {  	_ =	shalt  }
0x41: {  	_ =	shalt  }
0x42: {  	_ =	shalt  }
0x43: {  	_ =	shalt  }
0x44: {  	_ =	shalt  }
0x45: {  	_ =	shalt  }
0x46: {  	_ =	shalt  }
0x47: {  	_ =	shalt  }
0x48: {  	_ =	shalt  }
0x49: {  	_ =	shalt  }
0x4a: {  	_ =	shalt  }
0x4b: {  	_ =	shalt  }
0x4c: {  	_ =	shalt  }
0x4d: {  	_ =	shalt  }
0x4e: {  	_ =	shalt  }
0x4f: {  	_ =	shalt  }
0x50: {  	_ =	shalt  }
0x51: {  	_ =	shalt  }
0x52: {  	_ =	shalt  }
0x53: {  	_ =	shalt  }
0x54: {  	_ =	shalt  }
0x55: {  	_ =	shalt  }
0x56: {  	_ =	shalt  }
0x57: {  	_ =	shalt  }
0x58: {  	_ =	shalt  }
0x59: {  	_ =	shalt  }
0x5a: {  	_ =	shalt  }
0x5b: {  	_ =	shalt  }
0x5c: {  	_ =	shalt  }
0x5d: {  	_ =	shalt  }
0x5e: {  	_ =	shalt  }
0x5f: {  	_ =	shalt  }
0x60: {  	_ =	shalt  }
0x61: {  	_ =	shalt  }
0x62: {  	_ =	shalt  }
0x63: {  	_ =	shalt  }
0x64: {  	_ =	shalt  }
0x65: {  	_ =	shalt  }
0x66: {  	_ =	shalt  }
0x67: {  	_ =	shalt  }
0x68: {  	_ =	shalt  }
0x69: {  	_ =	shalt  }
0x6a: {  	_ =	shalt  }
0x6b: {  	_ =	shalt  }
0x6c: {  	_ =	shalt  }
0x6d: {  	_ =	shalt  }
0x6e: {  	_ =	shalt  }
0x6f: {  	_ =	shalt  }
0x70: {  	_ =	shalt  }
0x71: {  	_ =	shalt  }
0x72: {  	_ =	shalt  }
0x73: {  	_ =	shalt  }
0x74: {  	_ =	shalt  }
0x75: {  	_ =	shalt  }
0x76: {  	_ =	shalt  }
0x77: {  	_ =	shalt  }
0x78: {  	_ =	shalt  }
0x79: {  	_ =	shalt  }
0x7a: {  	_ =	shalt  }
0x7b: {  	_ =	shalt  }
0x7c: {  	_ =	shalt  }
0x7d: {  	_ =	shalt  }
0x7e: {  	_ =	shalt  }
0x7f: {  	_ =	shalt  }
0x80: {  	_ =	shalt  }
0x81: {  	_ =	shalt  }
0x82: {  	_ =	shalt  }
0x83: {  	_ =	shalt  }
0x84: {  	_ =	shalt  }
0x85: {  	_ =	shalt  }
0x86: {  	_ =	shalt  }
0x87: {  	_ =	shalt  }
.Lfunc_end0:
.L_simem_size_0:
called_computation.1_lowered:
.L_overlay_start_0:
0x88: {  	s2 =	sld [smem:$0x3FD9]  }
0x89: {  	s3 =	sld [smem:$0x3FFE];
	_ =	sdelay $0x1  }
0x8a: {  	s1 =	srdreg.scid  }
0x8b: {  	s0 =	sand.u32 $0x1, s1  }
0x8c: {  	s17 =	sshll.u32 s0, $0xA;
	s2 =	sadd.s32 s3, s2  }
0x8d: {  	s2 =	sadd.s32 s2, s17  }
0x8e: {  	[smem:$0x3FB8] =	sst s2  }
0x8f: {  	_ = 	snop  }
0x90: {  	s2 =	sld [smem:$0x3FD0];
	(tm) =	ssettm $0x1  }
0x91: {  	s18 =	sld [smem:$0x3FFB];
	_ =	sdelay $0x3  }
0x92: {  	_ =	strace s18  }
0x93: {  	s3 =	sld [smem:$0x3FFC];
	_ =	sdelay $0x3  }
0x94: {  	_ =	strace s3  }
0x95: {  	s3 =	sld [smem:$0x3FFD];
	_ =	sdelay $0x3  }
0x96: {  	_ =	strace s3  }
0x97: {  	_ =	strace $0x8FFFFFFF  }
0x98: {  	s19 =	sld [smem:$0x3FDB];
	_ =	sdelay $0x1  }
0x99: {  	s4 =	simm.s32 $_scs_section_size  }
0x9a: {  	s5 =	simm.s32 $_size__tile_overlayer_lowered;
	s6 =	simm.s32 $_tile_overlayer_lowered  }
0x9b: {  	s22 =	simm.s32 $0x1BFF;
	s21 =	sshll.u32 s6, $0x1;
	s3 =	sadd.s32 s4, s19  }
0x9c: {  	s7 =	simm.s32 $0x0;
	s20 =	sshll.u32 s5, $0x1;
	s5 =	sadd.s32 s21, s3  }
0x9d: {  	[timem:s7], [sflag:s22] =	dma.local [hbm:s5], s20  }
0x9e: {  	_ =	swait.ge [sflag:s22], s20  }
0x9f: {  	s4 =	ssub.s32 $0x0, s20;
	[sflag:s22] =	ssyncset.done $0x0  }
0xa0: {  	[sflag:s22] =	ssyncadd.s32 s4;
	_ =	sdelay $0x1  }
0xa1: {  	s23 =	simm.s32 $0x1B8B  }
0xa2: {  	_ =	swait.ge [sflag:s23], $0x1  }
0xa3: {  	[sflag:s23] =	ssyncset.done $0x0  }
0xa4: {  	s25 =	simm.s32 $0x1B8E;
	s24 =	sld [smem:$0x3FFE];
	[sflag:s23] =	ssyncadd.s32 $0xFFFFFFFF  }
0xa5: {  	s26 =	simm.s32 $execute0_lowered;
	[smem:$0x3FD2] =	sst s25  }
0xa6: {  	s5 =	sshll.u32 s26, $0x1;
	_ =	strace $0x80000049;
	[dreg:$0x1] =	wrdreg $0xFFFFFFFF  }
0xa7: {  	s28 =	simm.s32 $_size_execute0_lowered;
	s3 =	sadd.s32 s3, s5;
	[dreg:$0x0] =	wrdreg $0x0  }
0xa8: {  	s5 =	sshll.u32 s28, $0x1;
	[dreg:$0x2] =	wrdreg s3  }
0xa9: {  	[dreg:$0x3] =	wrdreg s5  }
0xaa: {  	[dreg:$0x4] =	wrdreg $0xC0  }
0xab: {  	_ =	task [dreg:s7], $0x5FFFF  }
0xac: {  	[dreg:$0x1] =	wrdreg $0xFFFFFFFF  }
0xad: {  	[dreg:$0x0] =	wrdreg $0x60  }
0xae: {  	[dreg:$0x2] =	wrdreg s2  }
0xaf: {  	[dreg:$0x3] =	wrdreg s24  }
0xb0: {  	[dreg:$0x4] =	wrdreg $0xA0000  }
0xb1: {  	[dreg:$0x5] =	wrdreg $0x9  }
0xb2: {  	_ =	task.clear_ibuf [dreg:s7], $0x6FFFF;
	_ =	strace $0x90000049  }
0xb3: {  	s29 =	simm.s32 $0x9;
	_ =	strace $0x8000004B  }
0xb4: {  	_ =	swait.ge [sflag:s29], $0x1  }
0xb5: {  	[sflag:s29] =	ssyncadd.s32 $0xFFFFFFFF  }
0xb6: {  	_ =	strace $0x9000004B  }
0xb7: {  	_ =	sfence  }
0xb8: {  	s30 =	sld [smem:$0x0];
	_ =	sdelay $0x2  }
0xb9: {  	s31 =	sshll.u32 s1, $0xD;
	s1 =	sshrl.u32 s1, $0x2  }
0xba: {  	s3 =	sand.u32 $0x4000, s31;
	s1 =	sadd.s32 s1, s30  }
0xbb: {  	s0 =	sor.u32 s3, s0;
	s1 =	sshll.u32 s1, $0x11  }
0xbc: {  	s0 =	sor.u32 s1, s0  }
0xbd: {  	s0 =	sadd.s32 $0x8F2B, s0  }
0xbe: {  	[sflag:s0] =	ssyncadd.remote.s32 $0x1  }
0xbf: {  	_ =	sfence.sel $0xFFFF  }
0xc0: {  	[dreg:$0x0] =	wrdreg $0xFFFFFFFF;
	(pc) =	sbr.abs _section_cstart, $3  }
0xc1: {  	[dreg:$0x1] =	wrdreg $0xFFFFFFFF  }
0xc2: {  	_ =	task.clear_ibuf [dreg:s7], $0x2FFFF;
	_ =	strace $0x9FFFFFFF  }
0xc3: {  	(tm) =	ssettm $0x7FFFFFFF  }
tec
execute0_lowered:
.L_overlay_start_1:
0x0: {  	(tag) =	ssettag $0x1  }
0x1: {  	s1 =	rddreg [dreg:$0x0]  }
0x2: {  	s6 =	rddreg [dreg:$0x1]  }
0x3: {  	s3 =	rddreg [dreg:$0x2]  }
0x4: {  	s0 =	rddreg [dreg:$0x3];
	s4 =	simm.s32 $0x0  }
0x5: {  	s2 =	stileid.u32;
	s7 =	srdreg.scid;
	s17 =	simm.s32 $0x6000  }
0x6: {  	s18 =	simm.s32 $0x1;
	s22 =	simm.s32 $0x0;
	s5 =	smul.u32 $0x600, s2  }
0x7: {  	[smem:$0x7FF] =	sst s4;
	s14 =	sand.u32 $0x1, s7;
	s30 =	smul.u32 $0x4F000, s2  }
0x8: {  	s28 =	sshll.u32 s2, $0xA;
	s31 =	sshll.u32 s2, $0x6;
	s16 =	smul.u32 $0x4E000, s2  }
0x9: {  	s19 =	smul.u32 $0x2700, s2;
	s21 =	sadd.s32 $0x138000, s3;
	p1 =	sne.s32 s2, $0xF  }
0xa: {  	_ =	strace $0x8000004A;
	s7 =	smul.u32 $0x27100, s14;
	s9 =	sadd.s32 s28, s6  }
0xb: {  	s8 =	ssub.s32 $0x2, s14;
	p0 =	seq.s32 s14, $0x0;
	s21 =	sshrl.u32 @!p1 s21, $0x3  }
0xc: {  	s11 =	sadd.s32 s5, s6;
	s5 =	sadd.s32 $0x16E00, s6;
	s29 =	sshrl.u32 s8, $0x1  }
0xd: {  	s16 =	sshrl.u32 s16, $0x2;
	s12 =	sadd.s32 s7, s6;
	s13 =	ssub.s32 s8, s29  }
0xe: {  	s6 =	simm.s32 $0x5F;
	s7 =	sshrl.u32 s30, $0x2;
	s8 =	sadd.s32 $0xEE00, s9  }
0xf: {  	s9 =	sadd.s32 $0x12E00, s9;
	s10 =	sadd.s32 $0x8E00, s11;
	s11 =	sadd.s32 $0x2E00, s11  }
0x10: {  	s20 =	sadd.s32 s16, s3;
	s16 =	simm.s32 $0x80;
	s6 =	simm.s32 @!p0 $0x3E  }
0x11: {  	s15 =	sadd.s32 s7, s3;
	s7 =	sor.u32 $0x1C02, s31;
	s12 =	sadd.s32 $0x19600, s12  }
0x12: {  	s13 =	smax.u32 s13, $0x1;
	p0 =	sne.s32 s14, $0x0;
	s20 =	sshrl.u32 s20, $0x3  }
0x13: {  	s14 =	sshrl.u32 s15, $0x3;
	s15 =	simm.s32 $0x2;
	s19 =	sadd.s32 s19, s12  }
.LBB2_1:
0x14: {  	[spmem:s14], [sflag:s7] =	dma.local [hbm:s5], $0x2780  }
0x15: {  	_ =	swait.ge [sflag:s15], $0x2780  }
0x16: {  	[sflag:s15] =	ssyncset.done $0x0  }
0x17: {  	s23 =	simm.s32 @p0 $0x0;
	s24 =	simm.s32 @p0 $0x2;
	[sflag:s15] =	ssyncadd.s32 $0xFFFFD880  }
0x18: {  	[tilespmem:s23], [sflag:$0x2] =	stream.linear.gather @p0 [hbm4b:s8+s23], $0x1F00, $0x38;
	[tilespmem:$0x1DC00] =	vst v63  }
0x19: {  	_ =	swait.ge @p0 [sflag:s24], $0x1F00  }
0x1a: {  	[sflag:s24] =	ssyncset.done @p0 $0x0  }
0x1b: {  	s25 =	simm.s32 @p0 $0x3000;
	[sflag:s24] =	ssyncadd.s32 @p0 $0xFFFFE100  }
0x1c: {  	[tilespmem:s25], [sflag:$0x2] =	stream.linear.gather @p0 [hbm4b:s9+s23], $0x1F00, $0x38;
	[tilespmem:$0x1DC00] =	vst v63  }
0x1d: {  	_ =	swait.ge @p0 [sflag:s24], $0x1F00  }
0x1e: {  	[sflag:s24] =	ssyncset.done @p0 $0x0  }
0x1f: {  	s23 =	simm.s32 @!p0 $0x0;
	[sflag:s24] =	ssyncadd.s32 @p0 $0xFFFFE100;
	s24 =	simm.s32 @!p0 $0x2  }
0x20: {  	[tilespmem:s23], [sflag:$0x2] =	stream.linear.gather @!p0 [hbm4b:s10+s23], $0x2F80, $0x38;
	[tilespmem:$0x1DC00] =	vst v63  }
0x21: {  	_ =	swait.ge @!p0 [sflag:s24], $0x2F80  }
0x22: {  	[sflag:s24] =	ssyncset.done @!p0 $0x0  }
0x23: {  	s25 =	simm.s32 @!p0 $0x3000;
	[sflag:s24] =	ssyncadd.s32 @!p0 $0xFFFFD080  }
0x24: {  	[tilespmem:s25], [sflag:$0x2] =	stream.linear.gather @!p0 [hbm4b:s11+s23], $0x2F80, $0x38;
	[tilespmem:$0x1DC00] =	vst v63  }
0x25: {  	_ =	swait.ge @!p0 [sflag:s24], $0x2F80  }
0x26: {  	[sflag:s24] =	ssyncset.done @!p0 $0x0  }
0x27: {  	[sflag:s24] =	ssyncadd.s32 @!p0 $0xFFFFD080  }
0x28: {  	[bflag:$0x0] =	sbarrier.arrive $0xFFFF  }
0x29: {  	[tilespmem:s17], [sflag:$0x1] =	stream.indirect.gather [hbm4b:s1+s16], $0x80, s4, s16, $0xb8;
	[tilespmem:$0x1DC00] =	vst v63  }
0x2a: {  	p2 =	sne.s32 s6, $0x1;
	_ =	swait.ge [sflag:s18], $0x4000  }
.Ltmp0:
0x2b: {  	[sflag:s18] =	ssyncset.done $0x0;
	(pc) =	sbr.rel @!p2 .LBB2_3-.Ltmp0, $4  }
0x2c: {  	s23 =	simm.s32 $0x3000;
	[sflag:s18] =	ssyncadd.s32 $0xFFFFC000  }
0x2d: {  	[spmem:s3] =	stream.indirect.scatter.add.f32 [tilespmem:s17], [sflag:$0x2], $0x80, s23, s16, $0xb8;
	[tilespmem:$0x1DC00] =	vst v63  }
0x2e: {  	_ =	swait.ge [sflag:s15], $0x4000  }
0x2f: {  	s25 =	simm.s32 $0x0;
	s24 =	sadd.s32 $0xFFFFFFFF, s6;
	[sflag:s15] =	ssyncset.done $0x0  }
.LBB2_2:
0x30: {  	[sflag:s15] =	ssyncadd.s32 $0xFFFFC000;
	s25 =	sadd.s32 $0x80, s25;
	s23 =	sadd.s32 $0x80, s23  }
0x31: {  	[tilespmem:s17], [sflag:$0x1] =	stream.indirect.gather [hbm4b:s1+s16], $0x80, s25, s16, $0xb8;
	[tilespmem:$0x1DC00] =	vst v63  }
0x32: {  	p2 =	sne.s32 s24, $0x1;
	s24 =	sadd.s32 $0xFFFFFFFF, s24;
	_ =	swait.ge [sflag:s18], $0x4000  }
.Ltmp1:
0x33: {  	[sflag:s18] =	ssyncset.done $0x0;
	(pc) =	sbr.rel @p2 .LBB2_2-.Ltmp1, $4  }
0x34: {  	[sflag:s18] =	ssyncadd.s32 $0xFFFFC000  }
0x35: {  	[spmem:s3] =	stream.indirect.scatter.add.f32 [tilespmem:s17], [sflag:$0x2], $0x80, s23, s16, $0xb8;
	[tilespmem:$0x1DC00] =	vst v63  }
0x36: {  	_ =	swait.ge [sflag:s15], $0x4000  }
0x37: {  	[sflag:s15] =	ssyncset.done $0x0  }
.LBB2_3:
0x38: {  	[sflag:s15] =	ssyncadd.s32 $0xFFFFC000  }
0x39: {  	[bflag:$0x0] =	sbarrier.arrive $0xFFFF  }
0x3a: {  	[hbm:s19], [sflag:s7] =	dma.local [spmem:s20], $0x2700  }
0x3b: {  	_ =	swait.ge [sflag:s15], $0x2700  }
0x3c: {  	s22 =	sadd.s32 $0x1, s22;
	[sflag:s15] =	ssyncset.done $0x0  }
0x3d: {  	s23 =	sadd.s32 @!p1 $0x27000, s12;
	p2 =	sne.s32 s22, s13;
	[sflag:s15] =	ssyncadd.s32 $0xFFFFD900  }
0x3e: {  	[hbm:s23], [sflag:s7] =	dma.local @!p1 [spmem:s21], $0x100  }
.Ltmp2:
0x3f: {  	_ = 	snop;
	(pc) =	sbr.rel @p2 .LBB2_1-.Ltmp2, $4  }
0x40: {  	s23 =	simm.s32 @!p1 $0x2  }
0x41: {  	_ =	swait.ge @!p1 [sflag:s23], $0x100  }
0x42: {  	[sflag:s23] =	ssyncset.done @!p1 $0x0  }
0x43: {  	[sflag:s23] =	ssyncadd.s32 @!p1 $0xFFFFFF00  }
0x44: {  	_ =	sfence.sel $0x180000  }
0x45: {  	[bflag:$0x0] =	sbarrier.arrive $0xFFFF  }
0x46: {  	p0 =	sne.s32 s2, $0x0;
	_ =	strace $0x9000004A  }
0x47: {  	s0 =	sadd.s32 @!p0 $0x100000, s0;
	[bflag:$0x2] =	sbarrier.arrive $0xFFFF  }
0x48: {  	[sflag:s0] =	ssyncadd.tile.s32 @!p0 $0x1;
	_ =	shalt  }
.Lfunc_end2:
_tile_overlayer_lowered:
.L_overlay_start_2:
0x49: {  	(tag) =	ssettag $0x2  }
0x4a: {  	s0 =	rddreg [dreg:$0x0];
	s2 =	stileid.u32  }
0x4b: {  	s1 =	rddreg [dreg:$0x1];
	p0 =	sne.s32 s2, $0x0  }
0x4c: {  	s3 =	rddreg [dreg:$0x2];
	[bflag:$0x3] =	sbarrier.arrive $0xFFFF;
	s2 =	simm.s32 @!p0 $0x1C02  }
0x4d: {  	[timem:s3], [sflag:s2] =	dma.local @!p0 [hbm:s0], s1  }
0x4e: {  	s0 =	simm.s32 @!p0 $0x2  }
0x4f: {  	_ =	swait.ge @!p0 [sflag:s0], s1  }
0x50: {  	s1 =	ssub.s32 @!p0 $0x0, s1;
	[sflag:s0] =	ssyncset.done @!p0 $0x0  }
0x51: {  	[sflag:s0] =	ssyncadd.s32 @!p0 s1  }
0x52: {  	[bflag:$0x3] =	sbarrier.arrive $0xFFFF  }
0x53: {  	_ =	shalt  }

</sc_bundles>
